<compile_context>
chip_gen: v7x
topology: tpu7x:2x2x1
jax: 0.10.2.dev20260603
libtpu: 0.0.44.dev20260713+nightly
codegen_flags: <defaults>
</compile_context>

<pallas_src>
import functools

import jax
import jax.numpy as jnp
from jax import lax
from jax.experimental import pallas as pl
from jax.experimental.pallas import tpu as pltpu
from jax.experimental.pallas import tpu_sc as plsc

CIN = 32
COUT = 32
DEPTH = 4
NNODES = 15
NLEAF = 16
PAD = 2
BATCH = 8
LENGTH = 2048

LANES = 16
LSPLIT = 4
LT = LENGTH // LSPLIT
ROW = LT + 128
U = 2


def _hinge_body(xp, thf, orf, wf, out, xtile, thv, orv, wv, accv):
    c = lax.axis_index("c")
    s = lax.axis_index("s")
    wid = s * 2 + c
    b = wid // LSPLIT
    l0 = (wid % LSPLIT) * LT

    pltpu.sync_copy(thf, thv)
    pltpu.sync_copy(orf, orv)
    pltpu.sync_copy(wf, wv)
    pltpu.sync_copy(xp.at[b, :, pl.ds(l0, ROW)], xtile)

    lane = lax.broadcasted_iota(jnp.int32, (LANES,), 0)

    def cout_body(co, _):
        tb0 = co * (CIN * NNODES)
        wb0 = co * (CIN * NLEAF) - NNODES

        def lbg_body(g, _):
            lstart = g * (LANES * U)
            lpos = [lane + (lstart + u * LANES) for u in range(U)]

            def cin_body(ci, accs):
                tb = jnp.full((LANES,), tb0 + ci * NNODES, jnp.int32)
                wb = jnp.full((LANES,), wb0 + ci * NLEAF, jnp.int32)
                cv = jnp.full((LANES,), ci, jnp.int32)
                res = []
                for u in range(U):
                    node = jnp.zeros((LANES,), jnp.int32)
                    minm = None
                    for _lev in range(DEPTH):
                        idx = node + tb
                        t = plsc.load_gather(thv, [idx])
                        o = plsc.load_gather(orv, [idx])
                        v = plsc.load_gather(xtile, [cv, lpos[u] + o])
                        m = v - t
                        am = jnp.abs(m)
                        minm = am if minm is None else jnp.minimum(minm, am)
                        node = node + node + jnp.where(m > 0.0, 2, 1)
                    wgt = plsc.load_gather(wv, [node + wb])
                    res.append(accs[u] + wgt * minm)
                return tuple(res)

            accs = tuple(jnp.zeros((LANES,), jnp.float32) for _ in range(U))
            accs = lax.fori_loop(0, CIN, cin_body, accs)
            for u in range(U):
                accv[co, pl.ds(lstart + u * LANES, LANES)] = accs[u]
            return 0

        lax.fori_loop(0, LT // (LANES * U), lbg_body, 0)
        return 0

    lax.fori_loop(0, COUT, cout_body, 0)
    pltpu.sync_copy(accv, out.at[b, :, pl.ds(l0, LT)])


@jax.jit
def _hinge(xp, thf, orf, wf):
    mesh = plsc.VectorSubcoreMesh(core_axis_name="c", subcore_axis_name="s")
    f = functools.partial(
        pl.kernel,
        mesh=mesh,
        compiler_params=pltpu.CompilerParams(needs_layout_passes=False),
        out_type=jax.ShapeDtypeStruct((BATCH, COUT, LENGTH), jnp.float32),
        scratch_types=[
            pltpu.VMEM((CIN, ROW), jnp.float32),
            pltpu.VMEM((COUT * CIN * NNODES,), jnp.float32),
            pltpu.VMEM((COUT * CIN * NNODES,), jnp.int32),
            pltpu.VMEM((COUT * CIN * NLEAF,), jnp.float32),
            pltpu.VMEM((COUT, LT), jnp.float32),
        ],
    )(_hinge_body)
    return f(xp, thf, orf, wf)


def kernel(x, thresholds, ordinals, weights):
    xp = jnp.pad(x, ((0, 0), (0, 0), (PAD, 126)))
    return _hinge(xp, thresholds.reshape(-1), ordinals.reshape(-1),
                  weights.reshape(-1))

# --- scband reference (transcript-rebuilt; emitter-appended) ---
"""Pipeline reference for scband-hinge-tree-conv1d-69114613729301 (READ-ONLY COPY).

The authoritative reference and input builder live on the scoring server;
editing this copy changes nothing except your own understanding.
"""

import jax, jax.numpy as jnp
import numpy as np

IN_CHANNELS = 32
OUT_CHANNELS = 32
DEPTH = 4
KERNEL = 5
STRIDE = 1
PADDING = 2
DILATION = 1
BATCH = 8
LENGTH = 2048


def setup_inputs(seed: int = 0) -> dict:
    key = jax.random.key(seed)
    k1, k2, k3, k4 = jax.random.split(key, 4)
    x = jax.random.normal(k1, (BATCH, IN_CHANNELS, LENGTH), dtype=jnp.float32)
    thresholds = 6.0 * jax.random.uniform(k2, (OUT_CHANNELS, IN_CHANNELS, 2 ** DEPTH - 1), dtype=jnp.float32) - 3.0
    ordinals = jax.random.randint(k3, (OUT_CHANNELS, IN_CHANNELS, 2 ** DEPTH - 1), 0, KERNEL, dtype=jnp.int32)
    weights = jax.random.normal(k4, (OUT_CHANNELS, IN_CHANNELS, 2 ** DEPTH), dtype=jnp.float32)
    return {"x": x, "thresholds": thresholds, "ordinals": ordinals, "weights": weights}


def _eval_tree(th, ordn, w, winds):
    # th: [T], ordn: [T] int, w: [2^D], winds: [B, Lout, K]
    # Hinge tree: traverse depth levels; at node n compare window[ordinal[n]] vs threshold[n];
    # output = weight[leaf] * min over path of |feature - threshold| (the hinge margin).
    node = jnp.zeros(winds.shape[:2], dtype=jnp.int32)
    minm = jnp.full(winds.shape[:2], jnp.inf, dtype=winds.dtype)
    for _ in range(DEPTH):
        o = ordn[node]
        t = th[node]
        v = jnp.take_along_axis(winds, o[..., None], axis=-1)[..., 0]
        m = v - t
        bit = (m > 0).astype(jnp.int32)
        minm = jnp.minimum(minm, jnp.abs(m))
        node = 2 * node + 1 + bit
    leaf = node - (2 ** DEPTH - 1)
    return w[leaf] * minm


def _forward(x, thresholds, ordinals, weights):
    B, Cin, L = x.shape
    xp = jnp.pad(x, ((0, 0), (0, 0), (PADDING, PADDING)))
    Lp = L + 2 * PADDING
    Lout = (Lp - DILATION * (KERNEL - 1) - 1) // STRIDE + 1
    idx = (jnp.arange(Lout) * STRIDE)[:, None] + jnp.arange(KERNEL)[None, :] * DILATION
    winds = xp[:, :, idx]  # [B, Cin, Lout, K] via gather
    winds = jnp.transpose(winds, (1, 0, 2, 3))  # [Cin, B, Lout, K]
    inner = jax.vmap(_eval_tree, in_axes=(0, 0, 0, 0))    # over in_channels
    outer = jax.vmap(inner, in_axes=(0, 0, 0, None))       # over out_channels
    per_tree = outer(thresholds, ordinals, weights, winds)  # [Cout, Cin, B, Lout]
    out = per_tree.sum(axis=1)                               # [Cout, B, Lout]
    return jnp.transpose(out, (1, 0, 2))                     # [B, Cout, Lout]


def reference(x, thresholds, ordinals, weights):
    return _forward(x, thresholds, ordinals, weights)

if __name__ == "__main__":
    import jax
    _d = setup_inputs()
    print(jax.jit(kernel)(*tuple(_d.values())))

</pallas_src>

<mosaic_0001>
#map = affine_map<(d0, d1) -> (0, 0, 0)>
#map1 = affine_map<(d0, d1) -> (0)>
module attributes {stable_mosaic.version = 14 : i64} {
  func.func @_hinge_body(%arg0: i32, %arg1: i32, %arg2: memref<8x32x2176xf32, #tpu.memory_space<hbm>>, %arg3: memref<15360xf32, #tpu.memory_space<hbm>>, %arg4: memref<15360xi32, #tpu.memory_space<hbm>>, %arg5: memref<16384xf32, #tpu.memory_space<hbm>>, %arg6: memref<8x32x2048xf32, #tpu.memory_space<hbm>>, %arg7: memref<32x640xf32, #tpu.memory_space<vmem>>, %arg8: memref<15360xf32, #tpu.memory_space<vmem>>, %arg9: memref<15360xi32, #tpu.memory_space<vmem>>, %arg10: memref<16384xf32, #tpu.memory_space<vmem>>, %arg11: memref<32x512xf32, #tpu.memory_space<vmem>>) attributes {dimension_semantics = [#tpu.dimension_semantics<core_parallel>, #tpu.dimension_semantics<subcore_parallel>], iteration_bounds = array<i64: 2, 16>, scalar_prefetch = 0 : i64, scratch_operands = 5 : i64, tpu.core_type = #tpu.core_type<sc_vector_subcore>, window_params = [{transform_indices = #map}, {transform_indices = #map1}, {transform_indices = #map1}, {transform_indices = #map1}, {transform_indices = #map}]} {
    %mul3A = arith.constant 2 : i32
    %mul3A_0 = arith.muli %arg1, %mul3A : i32
    %add3A = arith.addi %mul3A_0, %arg0 : i32
    %jit3A = arith.constant 4 : i32
    %div3A = arith.divsi %add3A, %jit3A : i32
    %sign3A = arith.constant 0 : i32
    %sign3A_1 = arith.cmpi sgt, %add3A, %sign3A : i32
    %sign3A_2 = arith.extui %sign3A_1 : i1 to i32
    %sign3A_3 = arith.constant 0 : i32
    %sign3A_4 = arith.cmpi slt, %add3A, %sign3A_3 : i32
    %sign3A_5 = arith.extui %sign3A_4 : i1 to i32
    %sign3A_6 = arith.subi %sign3A_2, %sign3A_5 : i32
    %sign3A_7 = arith.constant 0 : i32
    %sign3A_8 = arith.cmpi sgt, %jit3A, %sign3A_7 : i32
    %sign3A_9 = arith.extui %sign3A_8 : i1 to i32
    %sign3A_10 = arith.constant 0 : i32
    %sign3A_11 = arith.cmpi slt, %jit3A, %sign3A_10 : i32
    %sign3A_12 = arith.extui %sign3A_11 : i1 to i32
    %sign3A_13 = arith.subi %sign3A_9, %sign3A_12 : i32
    %ne3A = arith.cmpi ne, %sign3A_6, %sign3A_13 : i32
    %rem3A = arith.remsi %add3A, %jit3A : i32
    %ne3A_14 = arith.constant 0 : i32
    %ne3A_15 = arith.cmpi ne, %rem3A, %ne3A_14 : i32
    %and3A = arith.andi %ne3A, %ne3A_15 : i1
    %sub3A = arith.constant 1 : i32
    %sub3A_16 = arith.subi %div3A, %sub3A : i32
    %select_n3A = arith.select %and3A, %sub3A_16, %div3A : i32
    %jit3A_17 = arith.constant 4 : i32
    %eq3A = arith.constant 0 : i32
    %eq3A_18 = arith.cmpi eq, %jit3A_17, %eq3A : i32
    %jit3A_19 = arith.constant 1 : i32
    %select_n3A_20 = arith.select %eq3A_18, %jit3A_19, %jit3A_17 : i32
    %rem3A_21 = arith.remsi %add3A, %select_n3A_20 : i32
    %ne3A_22 = arith.constant 0 : i32
    %ne3A_23 = arith.cmpi ne, %rem3A_21, %ne3A_22 : i32
    %lt3A = arith.constant 0 : i32
    %lt3A_24 = arith.cmpi slt, %rem3A_21, %lt3A : i32
    %lt3A_25 = arith.constant 0 : i32
    %lt3A_26 = arith.cmpi slt, %select_n3A_20, %lt3A_25 : i32
    %ne3A_27 = arith.xori %lt3A_24, %lt3A_26 : i1
    %and3A_28 = arith.andi %ne3A_27, %ne3A_23 : i1
    %add3A_29 = arith.addi %rem3A_21, %select_n3A_20 : i32
    %select_n3A_30 = arith.select %and3A_28, %add3A_29, %rem3A_21 : i32
    %mul3A_31 = arith.constant 512 : i32
    %mul3A_32 = arith.muli %select_n3A_30, %mul3A_31 : i32
    "tpu.region"() ({
      %run_scoped3A = tpu.sem_alloc : memref<!tpu.dma_semaphore, #tpu.memory_space<semaphore_mem>>
      tpu.enqueue_dma source(%arg3 : memref<15360xf32, #tpu.memory_space<hbm>>) target(%arg8 : memref<15360xf32, #tpu.memory_space<vmem>>) target_semaphore(%run_scoped3A : memref<!tpu.dma_semaphore, #tpu.memory_space<semaphore_mem>>)
      tpu.wait_dma2 semaphore(%run_scoped3A : memref<!tpu.dma_semaphore, #tpu.memory_space<semaphore_mem>>) src(%arg3 : memref<15360xf32, #tpu.memory_space<hbm>>) dst(%arg8 : memref<15360xf32, #tpu.memory_space<vmem>>)
      tpu.yield
    }) : () -> ()
    "tpu.region"() ({
      %run_scoped3A = tpu.sem_alloc : memref<!tpu.dma_semaphore, #tpu.memory_space<semaphore_mem>>
      tpu.enqueue_dma source(%arg4 : memref<15360xi32, #tpu.memory_space<hbm>>) target(%arg9 : memref<15360xi32, #tpu.memory_space<vmem>>) target_semaphore(%run_scoped3A : memref<!tpu.dma_semaphore, #tpu.memory_space<semaphore_mem>>)
      tpu.wait_dma2 semaphore(%run_scoped3A : memref<!tpu.dma_semaphore, #tpu.memory_space<semaphore_mem>>) src(%arg4 : memref<15360xi32, #tpu.memory_space<hbm>>) dst(%arg9 : memref<15360xi32, #tpu.memory_space<vmem>>)
      tpu.yield
    }) : () -> ()
    "tpu.region"() ({
      %run_scoped3A = tpu.sem_alloc : memref<!tpu.dma_semaphore, #tpu.memory_space<semaphore_mem>>
      tpu.enqueue_dma source(%arg5 : memref<16384xf32, #tpu.memory_space<hbm>>) target(%arg10 : memref<16384xf32, #tpu.memory_space<vmem>>) target_semaphore(%run_scoped3A : memref<!tpu.dma_semaphore, #tpu.memory_space<semaphore_mem>>)
      tpu.wait_dma2 semaphore(%run_scoped3A : memref<!tpu.dma_semaphore, #tpu.memory_space<semaphore_mem>>) src(%arg5 : memref<16384xf32, #tpu.memory_space<hbm>>) dst(%arg10 : memref<16384xf32, #tpu.memory_space<vmem>>)
      tpu.yield
    }) : () -> ()
    "tpu.region"() ({
      %run_scoped3A = tpu.sem_alloc : memref<!tpu.dma_semaphore, #tpu.memory_space<semaphore_mem>>
      %dma_start3A = arith.constant 0 : i32
      %dma_start3A_39 = tpu.memref_slice %arg2[%select_n3A, %dma_start3A, %mul3A_32] : memref<8x32x2176xf32, #tpu.memory_space<hbm>> -> memref<1x32x640xf32, #tpu.memory_space<hbm>>
      %dma_start3A_40 = tpu.memref_squeeze %dma_start3A_39 : memref<1x32x640xf32, #tpu.memory_space<hbm>> -> memref<32x640xf32, #tpu.memory_space<hbm>>
      %dma_start3A_41 = arith.constant 0 : i32
      %dma_start3A_42 = tpu.memref_slice %arg2[%select_n3A, %dma_start3A_41, %mul3A_32] : memref<8x32x2176xf32, #tpu.memory_space<hbm>> -> memref<1x32x640xf32, #tpu.memory_space<hbm>>
      %dma_start3A_43 = tpu.memref_squeeze %dma_start3A_42 : memref<1x32x640xf32, #tpu.memory_space<hbm>> -> memref<32x640xf32, #tpu.memory_space<hbm>>
      tpu.enqueue_dma source(%dma_start3A_43 : memref<32x640xf32, #tpu.memory_space<hbm>>) target(%arg7 : memref<32x640xf32, #tpu.memory_space<vmem>>) target_semaphore(%run_scoped3A : memref<!tpu.dma_semaphore, #tpu.memory_space<semaphore_mem>>)
      %dma_wait3A = arith.constant 0 : i32
      %dma_wait3A_44 = tpu.memref_slice %arg2[%select_n3A, %dma_wait3A, %mul3A_32] : memref<8x32x2176xf32, #tpu.memory_space<hbm>> -> memref<1x32x640xf32, #tpu.memory_space<hbm>>
      %dma_wait3A_45 = tpu.memref_squeeze %dma_wait3A_44 : memref<1x32x640xf32, #tpu.memory_space<hbm>> -> memref<32x640xf32, #tpu.memory_space<hbm>>
      %dma_wait3A_46 = arith.constant 0 : i32
      %dma_wait3A_47 = tpu.memref_slice %arg2[%select_n3A, %dma_wait3A_46, %mul3A_32] : memref<8x32x2176xf32, #tpu.memory_space<hbm>> -> memref<1x32x640xf32, #tpu.memory_space<hbm>>
      %dma_wait3A_48 = tpu.memref_squeeze %dma_wait3A_47 : memref<1x32x640xf32, #tpu.memory_space<hbm>> -> memref<32x640xf32, #tpu.memory_space<hbm>>
      tpu.wait_dma2 semaphore(%run_scoped3A : memref<!tpu.dma_semaphore, #tpu.memory_space<semaphore_mem>>) src(%dma_wait3A_48 : memref<32x640xf32, #tpu.memory_space<hbm>>) dst(%arg7 : memref<32x640xf32, #tpu.memory_space<vmem>>)
      tpu.yield
    }) : () -> ()
    %iota3A = tpu.iota {dimensions = array<i32: 0>} : vector<16xi32>
    %scan3A = arith.constant 0 : i32
    %scan3A_33 = arith.constant 0 : i32
    %scan3A_34 = arith.constant 32 : i32
    %scan3A_35 = arith.addi %scan3A_33, %scan3A_34 : i32
    %scan3A_36 = arith.constant 1 : i32
    %scan3A_37 = scf.for %scan3A_39 = %scan3A_33 to %scan3A_35 step %scan3A_36 iter_args(%scan3A_40 = %scan3A) -> (i32)  : i32 {
      %mul3A_41 = arith.constant 480 : i32
      %mul3A_42 = arith.muli %scan3A_39, %mul3A_41 : i32
      %mul3A_43 = arith.constant 512 : i32
      %mul3A_44 = arith.muli %scan3A_39, %mul3A_43 : i32
      %sub3A_45 = arith.constant 15 : i32
      %sub3A_46 = arith.subi %mul3A_44, %sub3A_45 : i32
      %scan3A_47 = arith.constant 0 : i32
      %scan3A_48 = arith.constant 0 : i32
      %scan3A_49 = arith.constant 16 : i32
      %scan3A_50 = arith.addi %scan3A_48, %scan3A_49 : i32
      %scan3A_51 = arith.constant 1 : i32
      %scan3A_52 = scf.for %scan3A_55 = %scan3A_48 to %scan3A_50 step %scan3A_51 iter_args(%scan3A_56 = %scan3A_47) -> (i32)  : i32 {
        %mul3A_57 = arith.constant 32 : i32
        %mul3A_58 = arith.muli %scan3A_55, %mul3A_57 : i32
        %add3A_59 = arith.constant 0 : i32
        %add3A_60 = arith.addi %mul3A_58, %add3A_59 : i32
        %add3A_61 = vector.broadcast %add3A_60 : i32 to vector<16xi32>
        %add3A_62 = arith.addi %iota3A, %add3A_61 : vector<16xi32>
        %add3A_63 = arith.constant 16 : i32
        %add3A_64 = arith.addi %mul3A_58, %add3A_63 : i32
        %add3A_65 = vector.broadcast %add3A_64 : i32 to vector<16xi32>
        %add3A_66 = arith.addi %iota3A, %add3A_65 : vector<16xi32>
        %broadcast_in_dim3A = arith.constant 0.000000e+00 : f32
        %broadcast_in_dim3A_67 = vector.broadcast %broadcast_in_dim3A : f32 to vector<16xf32>
        %broadcast_in_dim3A_68 = arith.constant 0.000000e+00 : f32
        %broadcast_in_dim3A_69 = vector.broadcast %broadcast_in_dim3A_68 : f32 to vector<16xf32>
        %scan3A_70 = arith.constant 0 : i32
        %scan3A_71 = arith.constant 32 : i32
        %scan3A_72 = arith.addi %scan3A_70, %scan3A_71 : i32
        %scan3A_73 = arith.constant 1 : i32
        %scan3A_74:2 = scf.for %scan3A_86 = %scan3A_70 to %scan3A_72 step %scan3A_73 iter_args(%scan3A_87 = %broadcast_in_dim3A_67, %scan3A_88 = %broadcast_in_dim3A_69) -> (vector<16xf32>, vector<16xf32>)  : i32 {
          %mul3A_89 = arith.constant 15 : i32
          %mul3A_90 = arith.muli %scan3A_86, %mul3A_89 : i32
          %add3A_91 = arith.addi %mul3A_42, %mul3A_90 : i32
          %broadcast_in_dim3A_92 = vector.broadcast %add3A_91 : i32 to vector<16xi32>
          %mul3A_93 = arith.constant 16 : i32
          %mul3A_94 = arith.muli %scan3A_86, %mul3A_93 : i32
          %add3A_95 = arith.addi %sub3A_46, %mul3A_94 : i32
          %broadcast_in_dim3A_96 = vector.broadcast %add3A_95 : i32 to vector<16xi32>
          %broadcast_in_dim3A_97 = vector.broadcast %scan3A_86 : i32 to vector<16xi32>
          %broadcast_in_dim3A_98 = arith.constant 0 : i32
          %broadcast_in_dim3A_99 = vector.broadcast %broadcast_in_dim3A_98 : i32 to vector<16xi32>
          %add3A_100 = arith.addi %broadcast_in_dim3A_99, %broadcast_in_dim3A_92 : vector<16xi32>
          %gather3A = tpu.vector_load_idx %arg8[%add3A_100] : memref<15360xf32, #tpu.memory_space<vmem>>[vector<16xi32>], vector<16xf32>,
          %gather3A_101 = tpu.vector_load_idx %arg9[%add3A_100] : memref<15360xi32, #tpu.memory_space<vmem>>[vector<16xi32>], vector<16xi32>,
          %add3A_102 = arith.addi %add3A_62, %gather3A_101 : vector<16xi32>
          %gather3A_103 = tpu.vector_load_idx %arg7[%broadcast_in_dim3A_97, %add3A_102] : memref<32x640xf32, #tpu.memory_space<vmem>>[vector<16xi32>, vector<16xi32>], vector<16xf32>,
          %sub3A_104 = arith.subf %gather3A_103, %gather3A : vector<16xf32>
          %abs3A = math.absf %sub3A_104 : vector<16xf32>
          %add3A_105 = arith.addi %broadcast_in_dim3A_99, %broadcast_in_dim3A_99 : vector<16xi32>
          %gt3A = arith.constant 0.000000e+00 : f32
          %gt3A_106 = vector.broadcast %gt3A : f32 to vector<16xf32>
          %gt3A_107 = arith.cmpf ogt, %sub3A_104, %gt3A_106 : vector<16xf32>
          %jit3A_108 = arith.constant 2 : i32
          %jit3A_109 = arith.constant 1 : i32
          %broadcast_in_dim3A_110 = vector.broadcast %jit3A_108 : i32 to vector<16xi32>
          %broadcast_in_dim3A_111 = vector.broadcast %jit3A_109 : i32 to vector<16xi32>
          %select_n3A_112 = arith.select %gt3A_107, %broadcast_in_dim3A_110, %broadcast_in_dim3A_111 : vector<16xi1>, vector<16xi32>
          %add3A_113 = arith.addi %add3A_105, %select_n3A_112 : vector<16xi32>
          %add3A_114 = arith.addi %add3A_113, %broadcast_in_dim3A_92 : vector<16xi32>
          %gather3A_115 = tpu.vector_load_idx %arg8[%add3A_114] : memref<15360xf32, #tpu.memory_space<vmem>>[vector<16xi32>], vector<16xf32>,
          %gather3A_116 = tpu.vector_load_idx %arg9[%add3A_114] : memref<15360xi32, #tpu.memory_space<vmem>>[vector<16xi32>], vector<16xi32>,
          %add3A_117 = arith.addi %add3A_62, %gather3A_116 : vector<16xi32>
          %gather3A_118 = tpu.vector_load_idx %arg7[%broadcast_in_dim3A_97, %add3A_117] : memref<32x640xf32, #tpu.memory_space<vmem>>[vector<16xi32>, vector<16xi32>], vector<16xf32>,
          %sub3A_119 = arith.subf %gather3A_118, %gather3A_115 : vector<16xf32>
          %abs3A_120 = math.absf %sub3A_119 : vector<16xf32>
          %min3A = arith.minimumf %abs3A, %abs3A_120 : vector<16xf32>
          %add3A_121 = arith.addi %add3A_113, %add3A_113 : vector<16xi32>
          %gt3A_122 = arith.constant 0.000000e+00 : f32
          %gt3A_123 = vector.broadcast %gt3A_122 : f32 to vector<16xf32>
          %gt3A_124 = arith.cmpf ogt, %sub3A_119, %gt3A_123 : vector<16xf32>
          %jit3A_125 = arith.constant 2 : i32
          %jit3A_126 = arith.constant 1 : i32
          %broadcast_in_dim3A_127 = vector.broadcast %jit3A_125 : i32 to vector<16xi32>
          %broadcast_in_dim3A_128 = vector.broadcast %jit3A_126 : i32 to vector<16xi32>
          %select_n3A_129 = arith.select %gt3A_124, %broadcast_in_dim3A_127, %broadcast_in_dim3A_128 : vector<16xi1>, vector<16xi32>
          %add3A_130 = arith.addi %add3A_121, %select_n3A_129 : vector<16xi32>
          %add3A_131 = arith.addi %add3A_130, %broadcast_in_dim3A_92 : vector<16xi32>
          %gather3A_132 = tpu.vector_load_idx %arg8[%add3A_131] : memref<15360xf32, #tpu.memory_space<vmem>>[vector<16xi32>], vector<16xf32>,
          %gather3A_133 = tpu.vector_load_idx %arg9[%add3A_131] : memref<15360xi32, #tpu.memory_space<vmem>>[vector<16xi32>], vector<16xi32>,
          %add3A_134 = arith.addi %add3A_62, %gather3A_133 : vector<16xi32>
          %gather3A_135 = tpu.vector_load_idx %arg7[%broadcast_in_dim3A_97, %add3A_134] : memref<32x640xf32, #tpu.memory_space<vmem>>[vector<16xi32>, vector<16xi32>], vector<16xf32>,
          %sub3A_136 = arith.subf %gather3A_135, %gather3A_132 : vector<16xf32>
          %abs3A_137 = math.absf %sub3A_136 : vector<16xf32>
          %min3A_138 = arith.minimumf %min3A, %abs3A_137 : vector<16xf32>
          %add3A_139 = arith.addi %add3A_130, %add3A_130 : vector<16xi32>
          %gt3A_140 = arith.constant 0.000000e+00 : f32
          %gt3A_141 = vector.broadcast %gt3A_140 : f32 to vector<16xf32>
          %gt3A_142 = arith.cmpf ogt, %sub3A_136, %gt3A_141 : vector<16xf32>
          %jit3A_143 = arith.constant 2 : i32
          %jit3A_144 = arith.constant 1 : i32
          %broadcast_in_dim3A_145 = vector.broadcast %jit3A_143 : i32 to vector<16xi32>
          %broadcast_in_dim3A_146 = vector.broadcast %jit3A_144 : i32 to vector<16xi32>
          %select_n3A_147 = arith.select %gt3A_142, %broadcast_in_dim3A_145, %broadcast_in_dim3A_146 : vector<16xi1>, vector<16xi32>
          %add3A_148 = arith.addi %add3A_139, %select_n3A_147 : vector<16xi32>
          %add3A_149 = arith.addi %add3A_148, %broadcast_in_dim3A_92 : vector<16xi32>
          %gather3A_150 = tpu.vector_load_idx %arg8[%add3A_149] : memref<15360xf32, #tpu.memory_space<vmem>>[vector<16xi32>], vector<16xf32>,
          %gather3A_151 = tpu.vector_load_idx %arg9[%add3A_149] : memref<15360xi32, #tpu.memory_space<vmem>>[vector<16xi32>], vector<16xi32>,
          %add3A_152 = arith.addi %add3A_62, %gather3A_151 : vector<16xi32>
          %gather3A_153 = tpu.vector_load_idx %arg7[%broadcast_in_dim3A_97, %add3A_152] : memref<32x640xf32, #tpu.memory_space<vmem>>[vector<16xi32>, vector<16xi32>], vector<16xf32>,
          %sub3A_154 = arith.subf %gather3A_153, %gather3A_150 : vector<16xf32>
          %abs3A_155 = math.absf %sub3A_154 : vector<16xf32>
          %min3A_156 = arith.minimumf %min3A_138, %abs3A_155 : vector<16xf32>
          %add3A_157 = arith.addi %add3A_148, %add3A_148 : vector<16xi32>
          %gt3A_158 = arith.constant 0.000000e+00 : f32
          %gt3A_159 = vector.broadcast %gt3A_158 : f32 to vector<16xf32>
          %gt3A_160 = arith.cmpf ogt, %sub3A_154, %gt3A_159 : vector<16xf32>
          %jit3A_161 = arith.constant 2 : i32
          %jit3A_162 = arith.constant 1 : i32
          %broadcast_in_dim3A_163 = vector.broadcast %jit3A_161 : i32 to vector<16xi32>
          %broadcast_in_dim3A_164 = vector.broadcast %jit3A_162 : i32 to vector<16xi32>
          %select_n3A_165 = arith.select %gt3A_160, %broadcast_in_dim3A_163, %broadcast_in_dim3A_164 : vector<16xi1>, vector<16xi32>
          %add3A_166 = arith.addi %add3A_157, %select_n3A_165 : vector<16xi32>
          %add3A_167 = arith.addi %add3A_166, %broadcast_in_dim3A_96 : vector<16xi32>
          %gather3A_168 = tpu.vector_load_idx %arg10[%add3A_167] : memref<16384xf32, #tpu.memory_space<vmem>>[vector<16xi32>], vector<16xf32>,
          %mul3A_169 = arith.mulf %gather3A_168, %min3A_156 : vector<16xf32>
          %add3A_170 = arith.addf %scan3A_87, %mul3A_169 : vector<16xf32>
          %broadcast_in_dim3A_171 = arith.constant 0 : i32
          %broadcast_in_dim3A_172 = vector.broadcast %broadcast_in_dim3A_171 : i32 to vector<16xi32>
          %add3A_173 = arith.addi %broadcast_in_dim3A_172, %broadcast_in_dim3A_92 : vector<16xi32>
          %gather3A_174 = tpu.vector_load_idx %arg8[%add3A_173] : memref<15360xf32, #tpu.memory_space<vmem>>[vector<16xi32>], vector<16xf32>,
          %gather3A_175 = tpu.vector_load_idx %arg9[%add3A_173] : memref<15360xi32, #tpu.memory_space<vmem>>[vector<16xi32>], vector<16xi32>,
          %add3A_176 = arith.addi %add3A_66, %gather3A_175 : vector<16xi32>
          %gather3A_177 = tpu.vector_load_idx %arg7[%broadcast_in_dim3A_97, %add3A_176] : memref<32x640xf32, #tpu.memory_space<vmem>>[vector<16xi32>, vector<16xi32>], vector<16xf32>,
          %sub3A_178 = arith.subf %gather3A_177, %gather3A_174 : vector<16xf32>
          %abs3A_179 = math.absf %sub3A_178 : vector<16xf32>
          %add3A_180 = arith.addi %broadcast_in_dim3A_172, %broadcast_in_dim3A_172 : vector<16xi32>
          %gt3A_181 = arith.constant 0.000000e+00 : f32
          %gt3A_182 = vector.broadcast %gt3A_181 : f32 to vector<16xf32>
          %gt3A_183 = arith.cmpf ogt, %sub3A_178, %gt3A_182 : vector<16xf32>
          %jit3A_184 = arith.constant 2 : i32
          %jit3A_185 = arith.constant 1 : i32
          %broadcast_in_dim3A_186 = vector.broadcast %jit3A_184 : i32 to vector<16xi32>
          %broadcast_in_dim3A_187 = vector.broadcast %jit3A_185 : i32 to vector<16xi32>
          %select_n3A_188 = arith.select %gt3A_183, %broadcast_in_dim3A_186, %broadcast_in_dim3A_187 : vector<16xi1>, vector<16xi32>
          %add3A_189 = arith.addi %add3A_180, %select_n3A_188 : vector<16xi32>
          %add3A_190 = arith.addi %add3A_189, %broadcast_in_dim3A_92 : vector<16xi32>
          %gather3A_191 = tpu.vector_load_idx %arg8[%add3A_190] : memref<15360xf32, #tpu.memory_space<vmem>>[vector<16xi32>], vector<16xf32>,
          %gather3A_192 = tpu.vector_load_idx %arg9[%add3A_190] : memref<15360xi32, #tpu.memory_space<vmem>>[vector<16xi32>], vector<16xi32>,
          %add3A_193 = arith.addi %add3A_66, %gather3A_192 : vector<16xi32>
          %gather3A_194 = tpu.vector_load_idx %arg7[%broadcast_in_dim3A_97, %add3A_193] : memref<32x640xf32, #tpu.memory_space<vmem>>[vector<16xi32>, vector<16xi32>], vector<16xf32>,
          %sub3A_195 = arith.subf %gather3A_194, %gather3A_191 : vector<16xf32>
          %abs3A_196 = math.absf %sub3A_195 : vector<16xf32>
          %min3A_197 = arith.minimumf %abs3A_179, %abs3A_196 : vector<16xf32>
          %add3A_198 = arith.addi %add3A_189, %add3A_189 : vector<16xi32>
          %gt3A_199 = arith.constant 0.000000e+00 : f32
          %gt3A_200 = vector.broadcast %gt3A_199 : f32 to vector<16xf32>
          %gt3A_201 = arith.cmpf ogt, %sub3A_195, %gt3A_200 : vector<16xf32>
          %jit3A_202 = arith.constant 2 : i32
          %jit3A_203 = arith.constant 1 : i32
          %broadcast_in_dim3A_204 = vector.broadcast %jit3A_202 : i32 to vector<16xi32>
          %broadcast_in_dim3A_205 = vector.broadcast %jit3A_203 : i32 to vector<16xi32>
          %select_n3A_206 = arith.select %gt3A_201, %broadcast_in_dim3A_204, %broadcast_in_dim3A_205 : vector<16xi1>, vector<16xi32>
          %add3A_207 = arith.addi %add3A_198, %select_n3A_206 : vector<16xi32>
          %add3A_208 = arith.addi %add3A_207, %broadcast_in_dim3A_92 : vector<16xi32>
          %gather3A_209 = tpu.vector_load_idx %arg8[%add3A_208] : memref<15360xf32, #tpu.memory_space<vmem>>[vector<16xi32>], vector<16xf32>,
          %gather3A_210 = tpu.vector_load_idx %arg9[%add3A_208] : memref<15360xi32, #tpu.memory_space<vmem>>[vector<16xi32>], vector<16xi32>,
          %add3A_211 = arith.addi %add3A_66, %gather3A_210 : vector<16xi32>
          %gather3A_212 = tpu.vector_load_idx %arg7[%broadcast_in_dim3A_97, %add3A_211] : memref<32x640xf32, #tpu.memory_space<vmem>>[vector<16xi32>, vector<16xi32>], vector<16xf32>,
          %sub3A_213 = arith.subf %gather3A_212, %gather3A_209 : vector<16xf32>
          %abs3A_214 = math.absf %sub3A_213 : vector<16xf32>
          %min3A_215 = arith.minimumf %min3A_197, %abs3A_214 : vector<16xf32>
          %add3A_216 = arith.addi %add3A_207, %add3A_207 : vector<16xi32>
          %gt3A_217 = arith.constant 0.000000e+00 : f32
          %gt3A_218 = vector.broadcast %gt3A_217 : f32 to vector<16xf32>
          %gt3A_219 = arith.cmpf ogt, %sub3A_213, %gt3A_218 : vector<16xf32>
          %jit3A_220 = arith.constant 2 : i32
          %jit3A_221 = arith.constant 1 : i32
          %broadcast_in_dim3A_222 = vector.broadcast %jit3A_220 : i32 to vector<16xi32>
          %broadcast_in_dim3A_223 = vector.broadcast %jit3A_221 : i32 to vector<16xi32>
          %select_n3A_224 = arith.select %gt3A_219, %broadcast_in_dim3A_222, %broadcast_in_dim3A_223 : vector<16xi1>, vector<16xi32>
          %add3A_225 = arith.addi %add3A_216, %select_n3A_224 : vector<16xi32>
          %add3A_226 = arith.addi %add3A_225, %broadcast_in_dim3A_92 : vector<16xi32>
          %gather3A_227 = tpu.vector_load_idx %arg8[%add3A_226] : memref<15360xf32, #tpu.memory_space<vmem>>[vector<16xi32>], vector<16xf32>,
          %gather3A_228 = tpu.vector_load_idx %arg9[%add3A_226] : memref<15360xi32, #tpu.memory_space<vmem>>[vector<16xi32>], vector<16xi32>,
          %add3A_229 = arith.addi %add3A_66, %gather3A_228 : vector<16xi32>
          %gather3A_230 = tpu.vector_load_idx %arg7[%broadcast_in_dim3A_97, %add3A_229] : memref<32x640xf32, #tpu.memory_space<vmem>>[vector<16xi32>, vector<16xi32>], vector<16xf32>,
          %sub3A_231 = arith.subf %gather3A_230, %gather3A_227 : vector<16xf32>
          %abs3A_232 = math.absf %sub3A_231 : vector<16xf32>
          %min3A_233 = arith.minimumf %min3A_215, %abs3A_232 : vector<16xf32>
          %add3A_234 = arith.addi %add3A_225, %add3A_225 : vector<16xi32>
          %gt3A_235 = arith.constant 0.000000e+00 : f32
          %gt3A_236 = vector.broadcast %gt3A_235 : f32 to vector<16xf32>
          %gt3A_237 = arith.cmpf ogt, %sub3A_231, %gt3A_236 : vector<16xf32>
          %jit3A_238 = arith.constant 2 : i32
          %jit3A_239 = arith.constant 1 : i32
          %broadcast_in_dim3A_240 = vector.broadcast %jit3A_238 : i32 to vector<16xi32>
          %broadcast_in_dim3A_241 = vector.broadcast %jit3A_239 : i32 to vector<16xi32>
          %select_n3A_242 = arith.select %gt3A_237, %broadcast_in_dim3A_240, %broadcast_in_dim3A_241 : vector<16xi1>, vector<16xi32>
          %add3A_243 = arith.addi %add3A_234, %select_n3A_242 : vector<16xi32>
          %add3A_244 = arith.addi %add3A_243, %broadcast_in_dim3A_96 : vector<16xi32>
          %gather3A_245 = tpu.vector_load_idx %arg10[%add3A_244] : memref<16384xf32, #tpu.memory_space<vmem>>[vector<16xi32>], vector<16xf32>,
          %mul3A_246 = arith.mulf %gather3A_245, %min3A_233 : vector<16xf32>
          %add3A_247 = arith.addf %scan3A_88, %mul3A_246 : vector<16xf32>
          scf.yield %add3A_170, %add3A_247 : vector<16xf32>, vector<16xf32>
        }
        %scan3A_75 = arith.constant 32 : i32
        %add3A_76 = arith.constant 0 : i32
        %add3A_77 = arith.addi %mul3A_58, %add3A_76 : i32
        %swap3A = arith.index_cast %scan3A_39 : i32 to index
        %swap3A_78 = arith.index_cast %add3A_77 : i32 to index
        %swap3A_79 = tpu.vector_load %arg11[%swap3A, %swap3A_78] {strides = array<i32>} : memref<32x512xf32, #tpu.memory_space<vmem>>, vector<16xf32>,
        tpu.vector_store %arg11[%swap3A, %swap3A_78], %scan3A_74#0 {strides = array<i32>} : memref<32x512xf32, #tpu.memory_space<vmem>>, vector<16xf32>,
        %add3A_80 = arith.constant 16 : i32
        %add3A_81 = arith.addi %mul3A_58, %add3A_80 : i32
        %swap3A_82 = arith.index_cast %scan3A_39 : i32 to index
        %swap3A_83 = arith.index_cast %add3A_81 : i32 to index
        %swap3A_84 = tpu.vector_load %arg11[%swap3A_82, %swap3A_83] {strides = array<i32>} : memref<32x512xf32, #tpu.memory_space<vmem>>, vector<16xf32>,
        tpu.vector_store %arg11[%swap3A_82, %swap3A_83], %scan3A_74#1 {strides = array<i32>} : memref<32x512xf32, #tpu.memory_space<vmem>>, vector<16xf32>,
        %scan3A_85 = arith.constant 0 : i32
        scf.yield %scan3A_85 : i32
      }
      %scan3A_53 = arith.constant 16 : i32
      %scan3A_54 = arith.constant 0 : i32
      scf.yield %scan3A_54 : i32
    }
    %scan3A_38 = arith.constant 32 : i32
    "tpu.region"() ({
      %run_scoped3A = tpu.sem_alloc : memref<!tpu.dma_semaphore, #tpu.memory_space<semaphore_mem>>
      %dma_start3A = arith.constant 0 : i32
      %dma_start3A_39 = tpu.memref_slice %arg6[%select_n3A, %dma_start3A, %mul3A_32] : memref<8x32x2048xf32, #tpu.memory_space<hbm>> -> memref<1x32x512xf32, #tpu.memory_space<hbm>>
      %dma_start3A_40 = tpu.memref_squeeze %dma_start3A_39 : memref<1x32x512xf32, #tpu.memory_space<hbm>> -> memref<32x512xf32, #tpu.memory_space<hbm>>
      %dma_start3A_41 = arith.constant 0 : i32
      %dma_start3A_42 = tpu.memref_slice %arg6[%select_n3A, %dma_start3A_41, %mul3A_32] : memref<8x32x2048xf32, #tpu.memory_space<hbm>> -> memref<1x32x512xf32, #tpu.memory_space<hbm>>
      %dma_start3A_43 = tpu.memref_squeeze %dma_start3A_42 : memref<1x32x512xf32, #tpu.memory_space<hbm>> -> memref<32x512xf32, #tpu.memory_space<hbm>>
      tpu.enqueue_dma source(%arg11 : memref<32x512xf32, #tpu.memory_space<vmem>>) target(%dma_start3A_43 : memref<32x512xf32, #tpu.memory_space<hbm>>) target_semaphore(%run_scoped3A : memref<!tpu.dma_semaphore, #tpu.memory_space<semaphore_mem>>)
      %dma_wait3A = arith.constant 0 : i32
      %dma_wait3A_44 = tpu.memref_slice %arg6[%select_n3A, %dma_wait3A, %mul3A_32] : memref<8x32x2048xf32, #tpu.memory_space<hbm>> -> memref<1x32x512xf32, #tpu.memory_space<hbm>>
      %dma_wait3A_45 = tpu.memref_squeeze %dma_wait3A_44 : memref<1x32x512xf32, #tpu.memory_space<hbm>> -> memref<32x512xf32, #tpu.memory_space<hbm>>
      %dma_wait3A_46 = arith.constant 0 : i32
      %dma_wait3A_47 = tpu.memref_slice %arg6[%select_n3A, %dma_wait3A_46, %mul3A_32] : memref<8x32x2048xf32, #tpu.memory_space<hbm>> -> memref<1x32x512xf32, #tpu.memory_space<hbm>>
      %dma_wait3A_48 = tpu.memref_squeeze %dma_wait3A_47 : memref<1x32x512xf32, #tpu.memory_space<hbm>> -> memref<32x512xf32, #tpu.memory_space<hbm>>
      tpu.wait_dma2 semaphore(%run_scoped3A : memref<!tpu.dma_semaphore, #tpu.memory_space<semaphore_mem>>) src(%arg11 : memref<32x512xf32, #tpu.memory_space<vmem>>) dst(%dma_wait3A_48 : memref<32x512xf32, #tpu.memory_space<hbm>>)
      tpu.yield
    }) : () -> ()
    return
  }
}

</mosaic_0001>

<sc_bundles>
// kernel: _hinge.3.cloned.1.call-start
scs
__scs_entry_jumppad:
0x0: {  	(pc) =	sbr.rel $0x88, $3  }
0x1: {  	(tag) =	ssettag $0x0;
	lr =	simm.s32 $0x1  }
0x2: {  	[smem:$0x3F9D] =	sst lr;
	_ =	strace $0xD0000000  }
0x3: {  	_ = 	snop  }
0x4: {  	_ = 	snop  }
0x5: {  	_ = 	snop  }
0x6: {  	_ = 	snop  }
0x7: {  	_ = 	snop  }
__scs_overlays_trampoline_lowered:
0x8: {  	[smem:$0x3FAC] =	sst s0  }
0x9: {  	[smem:$0x3FAD] =	sst s1  }
0xa: {  	[smem:$0x3FAE] =	sst s2  }
0xb: {  	[smem:$0x3FAF] =	sst s3  }
0xc: {  	[smem:$0x3FB0] =	sst s4  }
0xd: {  	[smem:$0x3FB1] =	sst s5  }
0xe: {  	[smem:$0x3FB2] =	sst s6  }
0xf: {  	[smem:$0x3FB3] =	sst s7  }
0x10: {  	[smem:$0x3FB4] =	sst s8  }
0x11: {  	[smem:$0x3FB5] =	sst s9;
	s0 =	simm.s32 @!p0 $0x0  }
0x12: {  	s1 =	sld [smem:$0x3F9B];
	s0 =	simm.s32 @p0 $0x1  }
0x13: {  	[smem:$0x3FB6] =	sst s0;
	s0 =	simm.s32 @!p1 $0x0  }
0x14: {  	s2 =	sld [smem:$0x3F9A];
	s0 =	simm.s32 @p1 $0x1  }
0x15: {  	[smem:$0x3FB7] =	sst s0;
	s0 =	simm.s32 @!p2 $0x0  }
0x16: {  	s3 =	sld [smem:$0x3FDB];
	s0 =	simm.s32 @p2 $0x1  }
0x17: {  	s4 =	simm.s32 $0x1BF5;
	[smem:$0x3FB9] =	sst s0  }
0x18: {  	s0 =	sld [smem:$0x3F9C];
	_ =	swait.ge [sflag:s4], $0x0  }
0x19: {  	s7 =	sld [smem:$0x3F9D]  }
0x1a: {  	s8 =	sadd.s32 $0xFFFFE003, lr  }
0x1b: {  	s9 =	sadd.s32 $0xFFFFFEF7, lr;
	s5 =	simm.s32 $0xFFFFFFFF;
	p2 =	slt.u32 s8, $0xFFFFF086  }
0x1c: {  	p1 =	slt.u32 s9, $0xF7A;
	s5 =	simm.s32 @!p2 $0x0  }
0x1d: {  	s5 =	simm.s32 @p1 $0x1;
	p0 =	seq.s32 s7, s2  }
0x1e: {  	s7 =	smul.u32 @!p0 $0xF7A, s2;
	p2 =	seq.s32 @!p0 s5, $0x0  }
0x1f: {  	s9 =	smul.u32 $0xF7A, s1;
	s8 =	simm.s32 @!p0 $0x1BF5;
	p2 =	por !p2, p0  }
0x20: {  	[sflag:s8] =	ssyncset.s32 @!p0 $0xFFFFF086;
	s6 =	sadd.s32 @!p0 s3, s7;
	s7 =	simm.s32 @!p0 $0x108  }
0x21: {  	s3 =	sadd.s32 s3, s9;
	s6 =	sadd.s32 @!p0 $0x88, s6;
	s7 =	simm.s32 @p2 $0x1082  }
0x22: {  	[simem:s7], [sflag:s8] =	dma.local @!p0 [hbm:s6], $0xF7A  }
0x23: {  	s9 =	sor.u32 $0xD0000000, s2;
	s6 =	simm.s32 $0x108;
	_ =	swait.ge @!p0 [sflag:s8], $0x0  }
0x24: {  	s3 =	sadd.s32 $0x88, s3;
	s6 =	simm.s32 @!p1 $0x1082;
	[sflag:s4] =	ssyncset.s32 $0xFFFFF086  }
0x25: {  	[simem:s6], [sflag:s4] =	dma.local [hbm:s3], $0xF7A  }
0x26: {  	[smem:$0x3F9D] =	sst s1;
	(tag) =	ssettag s2;
	_ =	strace s9  }
0x27: {  	s1 =	sld [smem:$0x3FAD]  }
0x28: {  	s2 =	sld [smem:$0x3FAE]  }
0x29: {  	s4 =	sld [smem:$0x3FB0]  }
0x2a: {  	p0 =	seq.s32 s5, $0x0;
	s5 =	sld [smem:$0x3FB1]  }
0x2b: {  	s6 =	sld [smem:$0x3FB2]  }
0x2c: {  	s7 =	sld [smem:$0x3FB3]  }
0x2d: {  	s3 =	simm.s32 $0x108;
	s8 =	sld [smem:$0x3FB4]  }
0x2e: {  	s3 =	simm.s32 @!p0 $0x1082;
	s9 =	sld [smem:$0x3FB5]  }
0x2f: {  	lr =	sadd.s32 s0, s3;
	s0 =	sld [smem:$0x3FAC]  }
0x30: {  	s3 =	sld [smem:$0x3FAF]  }
0x31: {  	[smem:$0x3FB8] =	sst s10  }
0x32: {  	s10 =	sld [smem:$0x3FB6];
	_ =	sdelay $0x3  }
0x33: {  	p0 =	seq.s32 s10, $0x1;
	s10 =	sld [smem:$0x3FB8];
	_ =	sdelay $0x3  }
0x34: {  	[smem:$0x3FB8] =	sst s10  }
0x35: {  	s10 =	sld [smem:$0x3FB7];
	_ =	sdelay $0x3  }
0x36: {  	p1 =	seq.s32 s10, $0x1;
	s10 =	sld [smem:$0x3FB8];
	_ =	sdelay $0x3  }
0x37: {  	[smem:$0x3FB8] =	sst s10  }
0x38: {  	s10 =	sld [smem:$0x3FB9]  }
0x39: {  	_ = 	snop;
	(pc) =	sbr.ind lr, $3  }
0x3a: {  	_ = 	snop  }
0x3b: {  	_ = 	snop  }
0x3c: {  	p2 =	seq.s32 s10, $0x1;
	s10 =	sld [smem:$0x3FB8]  }
0x3d: {  	_ =	shalt  }
0x3e: {  	_ =	shalt  }
0x3f: {  	_ =	shalt  }
0x40: {  	_ =	shalt  }
0x41: {  	_ =	shalt  }
0x42: {  	_ =	shalt  }
0x43: {  	_ =	shalt  }
0x44: {  	_ =	shalt  }
0x45: {  	_ =	shalt  }
0x46: {  	_ =	shalt  }
0x47: {  	_ =	shalt  }
0x48: {  	_ =	shalt  }
0x49: {  	_ =	shalt  }
0x4a: {  	_ =	shalt  }
0x4b: {  	_ =	shalt  }
0x4c: {  	_ =	shalt  }
0x4d: {  	_ =	shalt  }
0x4e: {  	_ =	shalt  }
0x4f: {  	_ =	shalt  }
0x50: {  	_ =	shalt  }
0x51: {  	_ =	shalt  }
0x52: {  	_ =	shalt  }
0x53: {  	_ =	shalt  }
0x54: {  	_ =	shalt  }
0x55: {  	_ =	shalt  }
0x56: {  	_ =	shalt  }
0x57: {  	_ =	shalt  }
0x58: {  	_ =	shalt  }
0x59: {  	_ =	shalt  }
0x5a: {  	_ =	shalt  }
0x5b: {  	_ =	shalt  }
0x5c: {  	_ =	shalt  }
0x5d: {  	_ =	shalt  }
0x5e: {  	_ =	shalt  }
0x5f: {  	_ =	shalt  }
0x60: {  	_ =	shalt  }
0x61: {  	_ =	shalt  }
0x62: {  	_ =	shalt  }
0x63: {  	_ =	shalt  }
0x64: {  	_ =	shalt  }
0x65: {  	_ =	shalt  }
0x66: {  	_ =	shalt  }
0x67: {  	_ =	shalt  }
0x68: {  	_ =	shalt  }
0x69: {  	_ =	shalt  }
0x6a: {  	_ =	shalt  }
0x6b: {  	_ =	shalt  }
0x6c: {  	_ =	shalt  }
0x6d: {  	_ =	shalt  }
0x6e: {  	_ =	shalt  }
0x6f: {  	_ =	shalt  }
0x70: {  	_ =	shalt  }
0x71: {  	_ =	shalt  }
0x72: {  	_ =	shalt  }
0x73: {  	_ =	shalt  }
0x74: {  	_ =	shalt  }
0x75: {  	_ =	shalt  }
0x76: {  	_ =	shalt  }
0x77: {  	_ =	shalt  }
0x78: {  	_ =	shalt  }
0x79: {  	_ =	shalt  }
0x7a: {  	_ =	shalt  }
0x7b: {  	_ =	shalt  }
0x7c: {  	_ =	shalt  }
0x7d: {  	_ =	shalt  }
0x7e: {  	_ =	shalt  }
0x7f: {  	_ =	shalt  }
0x80: {  	_ =	shalt  }
0x81: {  	_ =	shalt  }
0x82: {  	_ =	shalt  }
0x83: {  	_ =	shalt  }
0x84: {  	_ =	shalt  }
0x85: {  	_ =	shalt  }
0x86: {  	_ =	shalt  }
0x87: {  	_ =	shalt  }
.Lfunc_end0:
.L_simem_size_0:
called_computation_lowered:
.L_overlay_start_0:
0x88: {  	s2 =	sld [smem:$0x3FD9]  }
0x89: {  	s3 =	sld [smem:$0x3FFE];
	_ =	sdelay $0x1  }
0x8a: {  	s1 =	srdreg.scid  }
0x8b: {  	s0 =	sand.u32 $0x1, s1  }
0x8c: {  	s18 =	sshll.u32 s0, $0xA;
	s2 =	sadd.s32 s3, s2  }
0x8d: {  	s2 =	sadd.s32 s2, s18  }
0x8e: {  	[smem:$0x3FC4] =	sst s2  }
0x8f: {  	_ = 	snop  }
0x90: {  	s2 =	sld [smem:$0x3FC9]  }
0x91: {  	s19 =	sld [smem:$0x3FC8]  }
0x92: {  	s4 =	sld [smem:$0x3FC7]  }
0x93: {  	s5 =	sld [smem:$0x3FC6]  }
0x94: {  	s6 =	sld [smem:$0x3FD0];
	(tm) =	ssettm $0x1  }
0x95: {  	s7 =	sld [smem:$0x3FFB];
	_ =	sdelay $0x3  }
0x96: {  	_ =	strace s7  }
0x97: {  	s7 =	sld [smem:$0x3FFC];
	_ =	sdelay $0x3  }
0x98: {  	_ =	strace s7  }
0x99: {  	s7 =	sld [smem:$0x3FFD];
	_ =	sdelay $0x3  }
0x9a: {  	_ =	strace s7  }
0x9b: {  	_ =	strace $0x8FFFFFFF  }
0x9c: {  	s20 =	sld [smem:$0x3FDB];
	_ =	sdelay $0x1  }
0x9d: {  	s8 =	simm.s32 $_scs_section_size  }
0x9e: {  	s9 =	simm.s32 $_size__tile_overlayer_lowered;
	s10 =	simm.s32 $_tile_overlayer_lowered  }
0x9f: {  	s23 =	simm.s32 $0x1BFF;
	s22 =	sshll.u32 s10, $0x1;
	s7 =	sadd.s32 s8, s20  }
0xa0: {  	s11 =	simm.s32 $0x0;
	s21 =	sshll.u32 s9, $0x1;
	s9 =	sadd.s32 s22, s7  }
0xa1: {  	[timem:s11], [sflag:s23] =	dma.local [hbm:s9], s21  }
0xa2: {  	_ =	swait.ge [sflag:s23], s21  }
0xa3: {  	s8 =	ssub.s32 $0x0, s21;
	[sflag:s23] =	ssyncset.done $0x0  }
0xa4: {  	[sflag:s23] =	ssyncadd.s32 s8;
	_ =	sdelay $0x1  }
0xa5: {  	s24 =	simm.s32 $0x1B8B  }
0xa6: {  	_ =	swait.ge [sflag:s24], $0x1  }
0xa7: {  	[sflag:s24] =	ssyncset.done $0x0  }
0xa8: {  	s25 =	simm.s32 $0x1B8E;
	[sflag:s24] =	ssyncadd.s32 $0xFFFFFFFF  }
0xa9: {  	s26 =	simm.s32 $execute0_lowered;
	[smem:$0x3FD2] =	sst s25  }
0xaa: {  	s8 =	sshll.u32 s26, $0x1;
	_ =	strace $0x80000046;
	[dreg:$0x1] =	wrdreg $0xFFFFFFFF  }
0xab: {  	s28 =	simm.s32 $_size_execute0_lowered;
	s7 =	sadd.s32 s7, s8;
	[dreg:$0x0] =	wrdreg $0x0  }
0xac: {  	s8 =	sshll.u32 s28, $0x1;
	[dreg:$0x2] =	wrdreg s7  }
0xad: {  	[dreg:$0x3] =	wrdreg s8  }
0xae: {  	[dreg:$0x4] =	wrdreg $0xC0  }
0xaf: {  	_ =	task [dreg:s11], $0x5FFFF  }
0xb0: {  	[dreg:$0x1] =	wrdreg $0xFFFFFFFF  }
0xb1: {  	[dreg:$0x0] =	wrdreg $0x60  }
0xb2: {  	[dreg:$0x2] =	wrdreg s2  }
0xb3: {  	[dreg:$0x3] =	wrdreg s19  }
0xb4: {  	[dreg:$0x4] =	wrdreg s4  }
0xb5: {  	[dreg:$0x5] =	wrdreg s5  }
0xb6: {  	[dreg:$0x6] =	wrdreg s6  }
0xb7: {  	[dreg:$0x7] =	wrdreg $0x9  }
0xb8: {  	_ =	task.clear_ibuf [dreg:s11], $0x8FFFF;
	_ =	strace $0x90000046  }
0xb9: {  	s29 =	simm.s32 $0x9;
	_ =	strace $0x80000048  }
0xba: {  	_ =	swait.ge [sflag:s29], $0x1  }
0xbb: {  	[sflag:s29] =	ssyncadd.s32 $0xFFFFFFFF  }
0xbc: {  	_ =	strace $0x90000048  }
0xbd: {  	_ =	sfence  }
0xbe: {  	s30 =	sld [smem:$0x0];
	_ =	sdelay $0x2  }
0xbf: {  	s31 =	sshll.u32 s1, $0xD;
	s1 =	sshrl.u32 s1, $0x2  }
0xc0: {  	s3 =	sand.u32 $0x4000, s31;
	s1 =	sadd.s32 s1, s30  }
0xc1: {  	s0 =	sor.u32 s3, s0;
	s1 =	sshll.u32 s1, $0x11  }
0xc2: {  	s0 =	sor.u32 s1, s0  }
0xc3: {  	s0 =	sadd.s32 $0x8F2B, s0  }
0xc4: {  	[sflag:s0] =	ssyncadd.remote.s32 $0x1  }
0xc5: {  	_ =	sfence.sel $0xFFFF  }
0xc6: {  	[dreg:$0x0] =	wrdreg $0xFFFFFFFF;
	(pc) =	sbr.abs _section_cstart, $3  }
0xc7: {  	[dreg:$0x1] =	wrdreg $0xFFFFFFFF  }
0xc8: {  	_ =	task.clear_ibuf [dreg:s11], $0x2FFFF;
	_ =	strace $0x9FFFFFFF  }
0xc9: {  	(tm) =	ssettm $0x7FFFFFFF  }
tec
execute0_lowered:
.L_overlay_start_1:
0x0: {  	(tag) =	ssettag $0x1  }
0x1: {  	s0 =	rddreg [dreg:$0x0]  }
0x2: {  	s3 =	rddreg [dreg:$0x2]  }
0x3: {  	s4 =	rddreg [dreg:$0x3]  }
0x4: {  	s1 =	rddreg [dreg:$0x4];
	s7 =	stileid.u32  }
0x5: {  	s5 =	simm.s32 $0x0;
	s2 =	srdreg.scid;
	s10 =	simm.s32 $0x1  }
0x6: {  	s11 =	simm.s32 $0x8C00;
	s12 =	simm.s32 $0xC800;
	s13 =	simm.s32 $0x1400  }
0x7: {  	s14 =	simm.s32 $0x4400;
	s15 =	simm.s32 $0x1000;
	s16 =	simm.s32 $0x4000  }
0x8: {  	s17 =	simm.s32 $0x10800;
	s18 =	simm.s32 $0x0;
	s23 =	simm.s32 $0x0  }
0x9: {  	s6 =	sshll.u32 s7, $0x1;
	s2 =	sand.u32 $0x1, s2;
	s7 =	sshrl.u32 s7, $0x1  }
0xa: {  	[smem:$0x7FF] =	sst s5;
	s6 =	sand.u32 $0x2, s6;
	s8 =	smul.u32 $0x11000, s7  }
0xb: {  	_ =	strace $0x80000047;
	s6 =	sor.u32 s2, s6;
	s2 =	ssub.s32 $0x2, s2  }
0xc: {  	s7 =	sshll.u32 s7, $0x10;
	s6 =	sshll.u32 s6, $0xC;
	s9 =	sshrl.u32 s2, $0x1  }
0xd: {  	s8 =	sadd.s32 s8, s6;
	s7 =	sor.u32 s7, s6;
	s2 =	ssub.s32 s2, s9  }
0xe: {  	s9 =	simm.s32 $0x5000;
	s8 =	sshrl.u32 s8, $0x3;
	s31 =	sshrl.u32 s7, $0x3  }
0xf: {  	v0 =	vlaneseq.u32;
	v1 =	vimm.s32 $0x1;
	v2 =	vimm.s32 $0x2;
	s6 =	sadd.s32 s0, s8;
	s7 =	sadd.s32 s1, s31;
	s8 =	smax.u32 s2, $0x1  }
.LBB2_1:
0x10: {  	s0 =	rddreg [dreg:$0x1]  }
0x11: {  	[tilespmem:s9], [sflag:$0x1] =	stream.linear.gather [hbm4b:s0+s5], $0x3C00, $0x38;
	[tilespmem:$0x14800] =	vst v63  }
0x12: {  	_ =	swait.ge [sflag:s10], $0x3C00  }
0x13: {  	[sflag:s10] =	ssyncset.done $0x0  }
0x14: {  	[sflag:s10] =	ssyncadd.s32 $0xFFFFC400  }
0x15: {  	[tilespmem:s11], [sflag:$0x1] =	stream.linear.gather [hbm4b:s3+s5], $0x3C00, $0x38;
	[tilespmem:$0x14800] =	vst v63  }
0x16: {  	_ =	swait.ge [sflag:s10], $0x3C00  }
0x17: {  	[sflag:s10] =	ssyncset.done $0x0  }
0x18: {  	[sflag:s10] =	ssyncadd.s32 $0xFFFFC400  }
0x19: {  	[tilespmem:s12], [sflag:$0x1] =	stream.linear.gather [hbm4b:s4+s5], $0x4000, $0x38;
	[tilespmem:$0x14800] =	vst v63  }
0x1a: {  	_ =	swait.ge [sflag:s10], $0x4000  }
0x1b: {  	[sflag:s10] =	ssyncset.done $0x0  }
0x1c: {  	[sflag:s10] =	ssyncadd.s32 $0xFFFFC000  }
0x1d: {  	[tilespmem:s5], [sflag:$0x1] =	stream.strided.gather [hbm4b:s6+s13], $0x5000, s14, s13, $0x38;
	[tilespmem:$0x14800] =	vst v63  }
0x1e: {  	_ =	swait.ge [sflag:s10], $0x5000  }
0x1f: {  	s19 =	simm.s32 $0xFFFFFFF1;
	[sflag:s10] =	ssyncset.done $0x0  }
0x20: {  	s20 =	simm.s32 $0x0;
	s21 =	simm.s32 $0x0;
	[sflag:s10] =	ssyncadd.s32 $0xFFFFB000  }
.LBB2_2:
0x21: {  	s0 =	sshll.u32 s21, $0x9;
	s1 =	sshll.u32 s21, $0x7  }
0x22: {  	s0 =	sand.u32 $0x3000, s0;
	s1 =	sand.u32 $0x380, s1  }
0x23: {  	s24 =	simm.s32 $0x0;
	s22 =	sor.u32 $0x10800, s0;
	v3 =	vmov s1  }
.LBB2_3:
0x24: {  	v5 =	vmov s20;
	_ =	sdelay $0x4  }
0x25: {  	v6 =	vld.idx.msk [tilespmem:v5+s11+$0x0], $0xffff;
	_ =	sdelay $0x1  }
0x26: {  	s26 =	sshll.u32 s24, $0x5  }
0x27: {  	s25 =	sor.u32 $0x10, s26  }
0x28: {  	v7 =	vmov s23;
	v4 =	vor.u32 s25, v0  }
0x29: {  	v8 =	vshrl.u32 v7, $0x3;
	v9 =	vadd.s32 v4, v6  }
0x2a: {  	v11 =	vmul.u32 $0x1400, v8;
	v8 =	vshll.u32 v9, $0x3  }
0x2b: {  	v8 =	vand.u32 $0xFFFFFC00, v8  }
0x2c: {  	v7 =	vshll.u32 v7, $0x7;
	v9 =	vand.u32 $0x7F, v9;
	v8 =	vadd.s32 v11, v8  }
0x2d: {  	v14 =	vand.u32 $0x380, v7;
	v7 =	vor.u32 v9, v8  }
0x2e: {  	v7 =	vor.u32 v14, v7;
	_ =	sdelay $0x3  }
0x2f: {  	v8 =	vld.idx.msk [tilespmem:v5+s9+$0x0], $0xffff  }
0x30: {  	v5 =	vld.idx.msk [tilespmem:v7+s5+$0x0], $0xffff;
	_ =	sdelay $0x4  }
0x31: {  	v9 =	vsub.f32 v5, v8;
	_ =	sdelay $0x1  }
0x32: {  	vm0 =	vgt.f32 v9, $0.0e+00  }
0x33: {  	v5 =	vsel vm0, $0x2, v1  }
0x34: {  	v7 =	vadd.s32 s20, v5;
	_ =	sdelay $0x4  }
0x35: {  	v10 =	vld.idx.msk [tilespmem:v7+s11+$0x0], $0xffff  }
0x36: {  	v5 =	vor.u32 s26, v0  }
0x37: {  	v6 =	vadd.s32 v5, v6  }
0x38: {  	s30 =	sadd.s32 $0xF, s20;
	v12 =	vshll.u32 v6, $0x3  }
0x39: {  	v13 =	vmov s30;
	v12 =	vand.u32 $0xFFFFFC00, v12  }
0x3a: {  	v6 =	vand.u32 $0x7F, v6;
	v12 =	vadd.s32 v11, v12;
	v10 =	vadd.s32 v4, v10  }
0x3b: {  	v6 =	vor.u32 v6, v12;
	v12 =	vshll.u32 v10, $0x3  }
0x3c: {  	v6 =	vor.u32 v14, v6;
	v12 =	vand.u32 $0xFFFFFC00, v12  }
0x3d: {  	v10 =	vand.u32 $0x7F, v10;
	v12 =	vadd.s32 v11, v12  }
0x3e: {  	v10 =	vor.u32 v10, v12  }
0x3f: {  	v15 =	vld.idx.msk [tilespmem:v13+s11+$0x0], $0xffff;
	v10 =	vor.u32 v14, v10;
	_ =	sdelay $0x1  }
0x40: {  	v6 =	vld.idx.msk [tilespmem:v6+s5+$0x0], $0xffff  }
0x41: {  	s0 =	simm.s32 $0x1  }
0x42: {  	v16 =	vmov s0;
	v7 =	vld.idx.msk [tilespmem:v7+s9+$0x0], $0xffff  }
0x43: {  	v17 =	vadd.s32 v4, v15;
	v12 =	vshrl.u32 v16, $0x3;
	v10 =	vld.idx.msk [tilespmem:v10+s5+$0x0], $0xffff  }
0x44: {  	v18 =	vshll.u32 v17, $0x3;
	v20 =	vmul.u32 $0x1400, v12  }
0x45: {  	v12 =	vsub.f32 v6, v8;
	v6 =	vand.u32 $0xFFFFFC00, v18  }
0x46: {  	v8 =	vshll.u32 v16, $0x7;
	v16 =	vand.u32 $0x7F, v17;
	v6 =	vadd.s32 v20, v6  }
0x47: {  	v17 =	vand.u32 $0x380, v8;
	vm2 =	vgt.f32 v12, $0.0e+00;
	v6 =	vor.u32 v16, v6  }
0x48: {  	v8 =	vsel vm2, $0x2, v1;
	v6 =	vor.u32 v17, v6;
	v10 =	vsub.f32 v10, v7  }
0x49: {  	v7 =	vadd.s32 s20, v8  }
0x4a: {  	v8 =	vadd.s32 v5, v15;
	vm1 =	vgt.f32 v10, $0.0e+00  }
0x4b: {  	v16 =	vsel vm0, $0x4, v2;
	v15 =	vshll.u32 v8, $0x3;
	v18 =	vsel vm1, $0x2, v1  }
0x4c: {  	v19 =	vld.idx.msk [tilespmem:v13+s9+$0x0], $0xffff;
	v15 =	vand.u32 $0xFFFFFC00, v15;
	v18 =	vadd.s32 v16, v18  }
0x4d: {  	v6 =	vld.idx.msk [tilespmem:v6+s5+$0x0], $0xffff;
	v8 =	vand.u32 $0x7F, v8;
	v13 =	vadd.s32 v20, v15;
	v15 =	vadd.s32 s20, v18  }
0x4e: {  	v8 =	vor.u32 v8, v13;
	v16 =	vld.idx.msk [tilespmem:v7+s11+$0x0], $0xffff  }
0x4f: {  	v8 =	vor.u32 v17, v8;
	_ =	sdelay $0x2  }
0x50: {  	v13 =	vsub.f32 v6, v19;
	v21 =	vld.idx.msk [tilespmem:v15+s11+$0x0], $0xffff  }
0x51: {  	v6 =	vadd.s32 v5, v16  }
0x52: {  	vm1 =	vgt.f32 v13, $0.0e+00;
	v8 =	vld.idx.msk [tilespmem:v8+s5+$0x0], $0xffff;
	v16 =	vshll.u32 v6, $0x3  }
0x53: {  	v22 =	vsel vm1, $0x2, v1;
	v16 =	vand.u32 $0xFFFFFC00, v16  }
0x54: {  	v22 =	vadd.s32 s30, v22;
	v6 =	vand.u32 $0x7F, v6;
	v16 =	vadd.s32 v11, v16  }
0x55: {  	v6 =	vor.u32 v6, v16;
	v16 =	vadd.s32 v4, v21  }
0x56: {  	v6 =	vor.u32 v14, v6;
	v21 =	vshll.u32 v16, $0x3  }
0x57: {  	v19 =	vsub.f32 v8, v19;
	v8 =	vand.u32 $0xFFFFFC00, v21  }
0x58: {  	v16 =	vand.u32 $0x7F, v16;
	v8 =	vadd.s32 v11, v8  }
0x59: {  	v21 =	vld.idx.msk [tilespmem:v22+s11+$0x0], $0xffff;
	v8 =	vor.u32 v16, v8  }
0x5a: {  	v7 =	vld.idx.msk [tilespmem:v7+s9+$0x0], $0xffff;
	vm0 =	vgt.f32 v19, $0.0e+00;
	v8 =	vor.u32 v14, v8  }
0x5b: {  	v16 =	vsel vm0, $0x2, v1;
	v6 =	vld.idx.msk [tilespmem:v6+s5+$0x0], $0xffff  }
0x5c: {  	v23 =	vadd.s32 s30, v16  }
0x5d: {  	s0 =	sadd.s32 $0xF, s30  }
0x5e: {  	v15 =	vld.idx.msk [tilespmem:v15+s9+$0x0], $0xffff;
	v16 =	vadd.s32 v4, v21;
	v21 =	vmov s0  }
0x5f: {  	v24 =	vshll.u32 v16, $0x3;
	v8 =	vld.idx.msk [tilespmem:v8+s5+$0x0], $0xffff  }
0x60: {  	v25 =	vsub.f32 v6, v7;
	v7 =	vand.u32 $0xFFFFFC00, v24  }
0x61: {  	v16 =	vand.u32 $0x7F, v16;
	v6 =	vld.idx.msk [tilespmem:v23+s11+$0x0], $0xffff;
	v7 =	vadd.s32 v20, v7  }
0x62: {  	vm3 =	vgt.f32 v25, $0.0e+00;
	v7 =	vor.u32 v16, v7  }
0x63: {  	s1 =	simm.s32 $0x2;
	v16 =	vsel vm2, $0x4, v2;
	v26 =	vld.idx.msk [tilespmem:v21+s11+$0x0], $0xffff;
	v24 =	vsel vm3, $0x2, v1;
	v7 =	vor.u32 v17, v7  }
0x64: {  	s2 =	simm.s32 $0x3;
	v28 =	vmov s1;
	s28 =	sadd.s32 $0xF, s0;
	v24 =	vadd.s32 v16, v24;
	v16 =	vsub.f32 v8, v15  }
0x65: {  	v57 =	vmov s2;
	v46 =	vmov s28;
	v15 =	vadd.s32 s20, v24  }
0x66: {  	v6 =	vadd.s32 v5, v6;
	v8 =	vshll.u32 v18, $0x1;
	vm2 =	vgt.f32 v16, $0.0e+00  }
0x67: {  	v18 =	vld.idx.msk [tilespmem:v22+s9+$0x0], $0xffff;
	v27 =	vand.u32 $0x7F, v6;
	v6 =	vshll.u32 v6, $0x3;
	v22 =	vsel vm2, $0x2, v1  }
0x68: {  	v29 =	vld.idx.msk [tilespmem:v7+s5+$0x0], $0xffff;
	v7 =	vshrl.u32 v28, $0x3;
	v30 =	vadd.s32 v8, v22;
	v22 =	vadd.s32 v4, v26  }
0x69: {  	v6 =	vand.u32 $0xFFFFFC00, v6;
	v8 =	vmul.u32 $0x1400, v7;
	v7 =	vshll.u32 v22, $0x3  }
0x6a: {  	v6 =	vadd.s32 v20, v6;
	v31 =	vadd.s32 s20, v30;
	v7 =	vand.u32 $0xFFFFFC00, v7  }
0x6b: {  	v28 =	vshll.u32 v28, $0x7;
	v22 =	vand.u32 $0x7F, v22;
	v33 =	vadd.s32 v8, v7  }
0x6c: {  	v26 =	vadd.s32 v5, v26;
	v34 =	vld.idx.msk [tilespmem:v15+s11+$0x0], $0xffff;
	v7 =	vand.u32 $0x380, v28;
	v22 =	vor.u32 v22, v33  }
0x6d: {  	v32 =	vshll.u32 v26, $0x3;
	v18 =	vsub.f32 v29, v18;
	v22 =	vor.u32 v7, v22  }
0x6e: {  	v6 =	vor.u32 v27, v6;
	v27 =	vsel vm1, $0x4, v2;
	v32 =	vand.u32 $0xFFFFFC00, v32  }
0x6f: {  	v26 =	vand.u32 $0x7F, v26;
	v28 =	vadd.s32 v8, v32;
	v29 =	vld.idx.msk [tilespmem:v31+s11+$0x0], $0xffff;
	vm2 =	vgt.f32 v18, $0.0e+00  }
0x70: {  	v6 =	vor.u32 v17, v6;
	v26 =	vor.u32 v26, v28;
	v28 =	vsel vm2, $0x2, v1  }
0x71: {  	v21 =	vld.idx.msk [tilespmem:v21+s9+$0x0], $0xffff;
	v26 =	vor.u32 v7, v26;
	v27 =	vadd.s32 v27, v28;
	v28 =	vadd.s32 v5, v34  }
0x72: {  	v9 =	vand.u32 $0x7FFFFFFF, v9;
	v59 =	vadd.s32 s30, v27;
	v60 =	vshll.u32 v28, $0x3;
	v22 =	vld.idx.msk [tilespmem:v22+s5+$0x0], $0xffff  }
0x73: {  	v36 =	vand.u32 $0x7FFFFFFF, v12;
	v10 =	vand.u32 $0x7FFFFFFF, v10;
	v33 =	vand.u32 $0xFFFFFC00, v60  }
0x74: {  	v23 =	vld.idx.msk [tilespmem:v23+s9+$0x0], $0xffff;
	v28 =	vand.u32 $0x7F, v28;
	v29 =	vadd.s32 v4, v29;
	v33 =	vadd.s32 v11, v33  }
0x75: {  	v9 =	vmin.f32 v9, v10;
	v61 =	vld.idx.msk [tilespmem:v6+s5+$0x0], $0xffff;
	v35 =	vshll.u32 v29, $0x3;
	v28 =	vor.u32 v28, v33  }
0x76: {  	v13 =	vand.u32 $0x7FFFFFFF, v13;
	v26 =	vld.idx.msk [tilespmem:v26+s5+$0x0], $0xffff;
	v62 =	vand.u32 $0xFFFFFC00, v35;
	v28 =	vor.u32 v14, v28  }
0x77: {  	v29 =	vand.u32 $0x7F, v29;
	v33 =	vadd.s32 v11, v62;
	v63 =	vld.idx.msk [tilespmem:v59+s11+$0x0], $0xffff;
	v12 =	vsub.f32 v22, v21  }
0x78: {  	v19 =	vand.u32 $0x7FFFFFFF, v19;
	v40 =	vshll.u32 v24, $0x1;
	v29 =	vor.u32 v29, v33  }
0x79: {  	v22 =	vand.u32 $0x7FFFFFFF, v25;
	v25 =	vsel vm0, $0x4, v2;
	vm0 =	vgt.f32 v12, $0.0e+00  }
0x7a: {  	v16 =	vand.u32 $0x7FFFFFFF, v16;
	v29 =	vor.u32 v14, v29;
	v24 =	vsel vm0, $0x2, v1  }
0x7b: {  	v23 =	vsub.f32 v61, v23;
	v41 =	vmin.f32 v36, v22;
	v22 =	vld.idx.msk [tilespmem:v28+s5+$0x0], $0xffff;
	v28 =	vadd.s32 s0, v24  }
0x7c: {  	v58 =	vmin.f32 v9, v16;
	v21 =	vsub.f32 v26, v21;
	v24 =	vadd.s32 v4, v63  }
0x7d: {  	v9 =	vshrl.u32 v57, $0x3;
	v15 =	vld.idx.msk [tilespmem:v15+s9+$0x0], $0xffff;
	v42 =	vand.u32 $0x7FFFFFFF, v23;
	v26 =	vshll.u32 v24, $0x3  }
0x7e: {  	v31 =	vld.idx.msk [tilespmem:v31+s9+$0x0], $0xffff;
	vm2 =	vgt.f32 v23, $0.0e+00;
	vm1 =	vgt.f32 v21, $0.0e+00;
	v26 =	vand.u32 $0xFFFFFC00, v26  }
0x7f: {  	v24 =	vand.u32 $0x7F, v24;
	v23 =	vld.idx.msk [tilespmem:v29+s5+$0x0], $0xffff;
	v29 =	vsel vm1, $0x2, v1;
	v43 =	vadd.s32 v20, v26  }
0x80: {  	v30 =	vshll.u32 v30, $0x1;
	v29 =	vadd.s32 s0, v29;
	v24 =	vor.u32 v24, v43;
	v44 =	vld.idx.msk [tilespmem:v28+s11+$0x0], $0xffff  }
0x81: {  	v30 =	vadd.s32 s19, v30;
	v18 =	vand.u32 $0x7FFFFFFF, v18;
	v45 =	vor.u32 v17, v24  }
0x82: {  	v6 =	vimm.f32 $0.0e+00;
	v13 =	vmin.f32 v13, v18;
	v15 =	vsub.f32 v22, v15  }
0x83: {  	v10 =	vshll.u32 v27, $0x1;
	v37 =	vsel vm2, $0x2, v1;
	v26 =	vsel vm1, $0x4, v2  }
0x84: {  	v24 =	vand.u32 $0x7FFFFFFF, v21;
	v21 =	vand.u32 $0x7FFFFFFF, v15;
	v23 =	vsub.f32 v23, v31;
	v31 =	vld.idx.msk [tilespmem:v59+s9+$0x0], $0xffff  }
0x85: {  	vm1 =	vgt.f32 v15, $0.0e+00;
	v15 =	vmin.f32 v19, v42;
	v19 =	vld.idx.msk [tilespmem:v29+s11+$0x0], $0xffff;
	v48 =	vadd.s32 v4, v44  }
0x86: {  	v35 =	vshll.u32 v57, $0x7;
	v25 =	vadd.s32 v25, v37;
	v49 =	vld.idx.msk [tilespmem:v45+s5+$0x0], $0xffff;
	v53 =	vshll.u32 v48, $0x3  }
0x87: {  	v56 =	vld.idx.msk [tilespmem:v46+s11+$0x0], $0xffff;
	v38 =	vadd.s32 s30, v25;
	v62 =	vsel vm0, $0x4, v2;
	v54 =	vand.u32 $0xFFFFFC00, v53  }
0x88: {  	v22 =	vshll.u32 v25, $0x1;
	v34 =	vand.u32 $0x7F, v48;
	v33 =	vadd.s32 v8, v54  }
0x89: {  	v21 =	vmin.f32 v41, v21;
	v25 =	vsel vm1, $0x2, v1;
	v33 =	vor.u32 v34, v33  }
0x8a: {  	v25 =	vadd.s32 v40, v25;
	v19 =	vadd.s32 v5, v19;
	v33 =	vor.u32 v7, v33  }
0x8b: {  	v55 =	vand.u32 $0x7F, v19;
	v39 =	vshll.u32 v19, $0x3;
	v19 =	vsub.f32 v49, v31  }
0x8c: {  	v59 =	vadd.s32 v4, v56;
	vm1 =	vgt.f32 v23, $0.0e+00;
	v50 =	vadd.s32 s20, v25  }
0x8d: {  	v25 =	vshll.u32 v25, $0x1;
	v47 =	vsel vm1, $0x2, v1;
	vm1 =	vgt.f32 v19, $0.0e+00  }
0x8e: {  	v28 =	vld.idx.msk [tilespmem:v28+s9+$0x0], $0xffff;
	v23 =	vand.u32 $0x7FFFFFFF, v23;
	v25 =	vadd.s32 s19, v25;
	v27 =	vsel vm1, $0x2, v1  }
0x8f: {  	v30 =	vadd.s32 v47, v30;
	v34 =	vadd.s32 v5, v56;
	v27 =	vadd.s32 v10, v27;
	v16 =	vld.idx.msk [tilespmem:v33+s5+$0x0], $0xffff  }
0x90: {  	v31 =	vand.u32 $0xFFFFFC00, v39;
	v42 =	vshll.u32 v34, $0x3;
	v40 =	vadd.s32 s30, v27  }
0x91: {  	v41 =	vld.idx.msk [tilespmem:v38+s11+$0x0], $0xffff;
	v31 =	vadd.s32 v8, v31;
	v10 =	vmul.u32 $0x1400, v9;
	v9 =	vshll.u32 v59, $0x3  }
0x92: {  	v42 =	vand.u32 $0xFFFFFC00, v42;
	v31 =	vor.u32 v55, v31;
	v9 =	vand.u32 $0xFFFFFC00, v9  }
0x93: {  	v31 =	vor.u32 v7, v31;
	v33 =	vand.u32 $0x7F, v59;
	v43 =	vadd.s32 v10, v9  }
0x94: {  	v60 =	vld.idx.msk [tilespmem:v50+s11+$0x0], $0xffff;
	v9 =	vand.u32 $0x380, v35;
	v33 =	vor.u32 v33, v43;
	v16 =	vsub.f32 v16, v28  }
0x95: {  	v34 =	vand.u32 $0x7F, v34;
	v42 =	vadd.s32 v10, v42;
	v33 =	vor.u32 v9, v33;
	v28 =	vld.idx.msk [tilespmem:v40+s11+$0x0], $0xffff  }
0x96: {  	v32 =	vld.idx.msk [tilespmem:v46+s9+$0x0], $0xffff;
	v61 =	vadd.s32 v5, v41;
	v34 =	vor.u32 v34, v42;
	vm1 =	vgt.f32 v16, $0.0e+00  }
0x97: {  	v29 =	vld.idx.msk [tilespmem:v29+s9+$0x0], $0xffff;
	v51 =	vshll.u32 v61, $0x3;
	v34 =	vor.u32 v9, v34;
	v63 =	vsel vm1, $0x2, v1  }
0x98: {  	v23 =	vmin.f32 v58, v23;
	v41 =	vand.u32 $0xFFFFFC00, v51;
	v30 =	vld.idx.msk [tilespmem:v30+s12+$0x0], $0xffff;
	v45 =	vadd.s32 v62, v63  }
0x99: {  	v37 =	vand.u32 $0x7F, v61;
	v41 =	vadd.s32 v20, v41;
	v31 =	vld.idx.msk [tilespmem:v31+s5+$0x0], $0xffff;
	v42 =	vadd.s32 s0, v45  }
0x9a: {  	v37 =	vor.u32 v37, v41;
	v35 =	vadd.s32 v5, v60;
	v33 =	vld.idx.msk [tilespmem:v33+s5+$0x0], $0xffff;
	v28 =	vadd.s32 v4, v28  }
0x9b: {  	v37 =	vor.u32 v17, v37;
	v52 =	vshll.u32 v35, $0x3;
	v53 =	vshll.u32 v28, $0x3  }
0x9c: {  	v35 =	vand.u32 $0x7F, v35;
	v43 =	vand.u32 $0xFFFFFC00, v52;
	v34 =	vld.idx.msk [tilespmem:v34+s5+$0x0], $0xffff;
	v41 =	vand.u32 $0xFFFFFC00, v53  }
0x9d: {  	v43 =	vadd.s32 v11, v43;
	v11 =	vand.u32 $0x7F, v28;
	v28 =	vadd.s32 v20, v41  }
0x9e: {  	v23 =	vmul.f32 v23, v30;
	v30 =	vor.u32 v35, v43;
	v28 =	vor.u32 v11, v28;
	v54 =	vld.idx.msk [tilespmem:v42+s11+$0x0], $0xffff  }
0x9f: {  	v55 =	vld.idx.msk [tilespmem:v38+s9+$0x0], $0xffff;
	v29 =	vsub.f32 v31, v29;
	v11 =	vsub.f32 v33, v32;
	v28 =	vor.u32 v17, v28  }
0xa0: {  	v18 =	vand.u32 $0x7FFFFFFF, v19;
	v57 =	vld.idx.msk [tilespmem:v37+s5+$0x0], $0xffff;
	v56 =	vadd.f32 v23, v6;
	v14 =	vor.u32 v14, v30  }
0xa1: {  	vm1 =	vgt.f32 v29, $0.0e+00;
	v31 =	vsub.f32 v34, v32;
	vm0 =	vgt.f32 v11, $0.0e+00  }
0xa2: {  	v60 =	vld.idx.msk [tilespmem:v40+s9+$0x0], $0xffff;
	v59 =	vand.u32 $0x7FFFFFFF, v29;
	v29 =	vsel vm1, $0x2, v1;
	v23 =	vsel vm0, $0x2, v1  }
0xa3: {  	v30 =	vld.idx.msk [tilespmem:v50+s9+$0x0], $0xffff;
	vm2 =	vgt.f32 v31, $0.0e+00;
	v58 =	vadd.s32 s28, v23;
	v61 =	vadd.s32 v4, v54  }
0xa4: {  	v26 =	vadd.s32 v26, v29;
	v62 =	vld.idx.msk [tilespmem:v28+s5+$0x0], $0xffff;
	v28 =	vsel vm2, $0x2, v1;
	v41 =	vshll.u32 v61, $0x3  }
0xa5: {  	v14 =	vld.idx.msk [tilespmem:v14+s5+$0x0], $0xffff;
	v32 =	vsub.f32 v57, v55;
	v63 =	vadd.s32 s28, v28;
	v28 =	vand.u32 $0xFFFFFC00, v41  }
0xa6: {  	v29 =	vshll.u32 v26, $0x1;
	v38 =	vand.u32 $0x7F, v61;
	v28 =	vadd.s32 v8, v28  }
0xa7: {  	vm1 =	vgt.f32 v32, $0.0e+00;
	v41 =	vadd.s32 s0, v26;
	v26 =	vor.u32 v38, v28  }
0xa8: {  	v46 =	vld.idx.msk [tilespmem:v58+s11+$0x0], $0xffff;
	v28 =	vmin.f32 v24, v59;
	v24 =	vor.u32 v7, v26;
	v26 =	vand.u32 $0x7FFFFFFF, v32  }
0xa9: {  	v47 =	vsub.f32 v62, v60;
	v15 =	vmin.f32 v15, v26;
	v26 =	vsel vm1, $0x2, v1  }
0xaa: {  	s29 =	sadd.s32 $0xF, s28;
	v13 =	vmin.f32 v13, v18;
	v36 =	vsub.f32 v14, v30;
	v22 =	vadd.s32 v22, v26  }
0xab: {  	s1 =	sadd.s32 $0x10, s19;
	v14 =	vld.idx.msk [tilespmem:v63+s11+$0x0], $0xffff;
	v26 =	vshll.u32 v27, $0x1;
	vm1 =	vgt.f32 v47, $0.0e+00;
	v27 =	vmov s29  }
0xac: {  	v18 =	vand.u32 $0x7FFFFFFF, v47;
	v30 =	vsel vm1, $0x2, v1;
	v26 =	vadd.s32 s1, v26  }
0xad: {  	v48 =	vld.idx.msk [tilespmem:v42+s9+$0x0], $0xffff;
	v33 =	vadd.s32 v4, v46;
	v38 =	vadd.s32 s30, v22;
	v26 =	vadd.s32 v30, v26  }
0xae: {  	v22 =	vshll.u32 v22, $0x1;
	vm1 =	vgt.f32 v36, $0.0e+00;
	v30 =	vld.idx.msk [tilespmem:v24+s5+$0x0], $0xffff;
	v24 =	vshll.u32 v33, $0x3  }
0xaf: {  	v13 =	vmin.f32 v13, v18;
	v33 =	vand.u32 $0x7F, v33;
	v49 =	vand.u32 $0xFFFFFC00, v24  }
0xb0: {  	v24 =	vadd.s32 s1, v22;
	v14 =	vadd.s32 v5, v14;
	v40 =	vadd.s32 v10, v49;
	v51 =	vld.idx.msk [tilespmem:v27+s11+$0x0], $0xffff  }
0xb1: {  	v50 =	vand.u32 $0x7F, v14;
	v14 =	vshll.u32 v14, $0x3;
	v33 =	vor.u32 v33, v40  }
0xb2: {  	v22 =	vsel vm1, $0x2, v1;
	v14 =	vand.u32 $0xFFFFFC00, v14;
	v33 =	vor.u32 v9, v33;
	v26 =	vld.idx.msk [tilespmem:v26+s12+$0x0], $0xffff  }
0xb3: {  	s2 =	simm.s32 $0x4;
	v22 =	vadd.s32 v22, v25;
	v52 =	vadd.s32 v10, v14;
	v25 =	vsub.f32 v30, v48  }
0xb4: {  	v14 =	vshll.u32 v45, $0x1;
	v30 =	vmov s2;
	v37 =	vor.u32 v50, v52  }
0xb5: {  	v54 =	vshrl.u32 v30, $0x3;
	vm1 =	vgt.f32 v25, $0.0e+00;
	v40 =	vadd.s32 v5, v51  }
0xb6: {  	v53 =	vld.idx.msk [tilespmem:v58+s9+$0x0], $0xffff;
	v30 =	vshll.u32 v30, $0x7;
	v19 =	vsel vm1, $0x2, v1;
	v44 =	vshll.u32 v40, $0x3  }
0xb7: {  	v39 =	vadd.s32 v14, v19;
	v19 =	vld.idx.msk [tilespmem:v33+s5+$0x0], $0xffff;
	v14 =	vadd.s32 v4, v51;
	v18 =	vmul.f32 v13, v26  }
0xb8: {  	v26 =	vld.idx.msk [tilespmem:v41+s11+$0x0], $0xffff;
	v13 =	vmul.u32 $0x1400, v54;
	v33 =	vadd.s32 s0, v39;
	v55 =	vshll.u32 v14, $0x3  }
0xb9: {  	v61 =	vor.u32 v9, v37;
	v44 =	vand.u32 $0xFFFFFC00, v44;
	v34 =	vand.u32 $0xFFFFFC00, v55  }
0xba: {  	v18 =	vadd.f32 v18, v56;
	v56 =	vand.u32 $0x7F, v14;
	v34 =	vadd.s32 v13, v34  }
0xbb: {  	v14 =	vand.u32 $0x380, v30;
	v58 =	vadd.s32 v13, v44;
	v30 =	vor.u32 v56, v34  }
0xbc: {  	v57 =	vld.idx.msk [tilespmem:v38+s11+$0x0], $0xffff;
	v59 =	vor.u32 v14, v30;
	v19 =	vsub.f32 v19, v53;
	v30 =	vand.u32 $0x7F, v40  }
0xbd: {  	v26 =	vadd.s32 v5, v26;
	v60 =	vld.idx.msk [tilespmem:v33+s11+$0x0], $0xffff;
	v30 =	vor.u32 v30, v58  }
0xbe: {  	v48 =	vand.u32 $0x7F, v26;
	v26 =	vshll.u32 v26, $0x3;
	vm1 =	vgt.f32 v19, $0.0e+00  }
0xbf: {  	v62 =	vld.idx.msk [tilespmem:v63+s9+$0x0], $0xffff;
	v63 =	vor.u32 v14, v30;
	v30 =	vsel vm0, $0x4, v2;
	v47 =	vsel vm1, $0x2, v1  }
0xc0: {  	v36 =	vand.u32 $0x7FFFFFFF, v36;
	v27 =	vld.idx.msk [tilespmem:v27+s9+$0x0], $0xffff;
	v26 =	vand.u32 $0xFFFFFC00, v26;
	v30 =	vadd.s32 v30, v47  }
0xc1: {  	v35 =	vld.idx.msk [tilespmem:v61+s5+$0x0], $0xffff;
	v34 =	vadd.s32 v5, v57;
	v26 =	vadd.s32 v8, v26;
	v50 =	vadd.s32 s28, v30  }
0xc2: {  	v45 =	vshll.u32 v34, $0x3;
	v26 =	vor.u32 v48, v26;
	v49 =	vld.idx.msk [tilespmem:v59+s5+$0x0], $0xffff;
	v32 =	vadd.s32 v4, v60  }
0xc3: {  	v22 =	vld.idx.msk [tilespmem:v22+s12+$0x0], $0xffff;
	v45 =	vand.u32 $0xFFFFFC00, v45;
	v26 =	vor.u32 v7, v26;
	v51 =	vshll.u32 v32, $0x3  }
0xc4: {  	v34 =	vand.u32 $0x7F, v34;
	v20 =	vadd.s32 v20, v45;
	v42 =	vand.u32 $0xFFFFFC00, v51  }
0xc5: {  	v34 =	vor.u32 v34, v20;
	v40 =	vld.idx.msk [tilespmem:v63+s5+$0x0], $0xffff;
	v32 =	vand.u32 $0x7F, v32;
	v42 =	vadd.s32 v8, v42  }
0xc6: {  	v21 =	vmin.f32 v21, v36;
	v17 =	vor.u32 v17, v34;
	v52 =	vld.idx.msk [tilespmem:v50+s11+$0x0], $0xffff;
	v32 =	vor.u32 v32, v42  }
0xc7: {  	v53 =	vld.idx.msk [tilespmem:v41+s9+$0x0], $0xffff;
	v35 =	vsub.f32 v35, v62;
	v20 =	vsub.f32 v49, v27;
	v32 =	vor.u32 v7, v32  }
0xc8: {  	v31 =	vand.u32 $0x7FFFFFFF, v31;
	v23 =	vsel vm2, $0x4, v2;
	v22 =	vmul.f32 v21, v22;
	v55 =	vld.idx.msk [tilespmem:v26+s5+$0x0], $0xffff  }
0xc9: {  	v54 =	vld.idx.msk [tilespmem:v38+s9+$0x0], $0xffff;
	v56 =	vand.u32 $0x7FFFFFFF, v35;
	vm1 =	vgt.f32 v35, $0.0e+00;
	vm0 =	vgt.f32 v20, $0.0e+00  }
0xca: {  	v33 =	vld.idx.msk [tilespmem:v33+s9+$0x0], $0xffff;
	v26 =	vsel vm1, $0x2, v1;
	v21 =	vsub.f32 v40, v27;
	v27 =	vsel vm0, $0x2, v1  }
0xcb: {  	v60 =	vld.idx.msk [tilespmem:v17+s5+$0x0], $0xffff;
	v17 =	vadd.s32 v23, v26;
	v38 =	vadd.s32 s29, v27;
	v57 =	vadd.s32 v4, v52  }
0xcc: {  	v36 =	vadd.s32 s28, v17;
	vm2 =	vgt.f32 v21, $0.0e+00;
	v32 =	vld.idx.msk [tilespmem:v32+s5+$0x0], $0xffff;
	v59 =	vshll.u32 v57, $0x3  }
0xcd: {  	v58 =	vsel vm2, $0x2, v1;
	v34 =	vsub.f32 v55, v53;
	v23 =	vand.u32 $0xFFFFFC00, v59  }
0xce: {  	v46 =	vadd.s32 s29, v58;
	v35 =	vand.u32 $0x7F, v57;
	v23 =	vadd.s32 v10, v23  }
0xcf: {  	v26 =	vshll.u32 v17, $0x1;
	vm1 =	vgt.f32 v34, $0.0e+00;
	v35 =	vor.u32 v35, v23  }
0xd0: {  	v17 =	vmin.f32 v31, v56;
	v62 =	vsel vm1, $0x2, v1;
	v61 =	vld.idx.msk [tilespmem:v38+s11+$0x0], $0xffff;
	v31 =	vor.u32 v9, v35  }
0xd1: {  	v23 =	vand.u32 $0x7FFFFFFF, v21;
	v21 =	vand.u32 $0x7FFFFFFF, v34;
	v34 =	vsub.f32 v32, v33  }
0xd2: {  	v41 =	vld.idx.msk [tilespmem:v50+s9+$0x0], $0xffff;
	v27 =	vsel vm2, $0x4, v2;
	v37 =	vadd.s32 v29, v62;
	v29 =	vshll.u32 v39, $0x1  }
0xd3: {  	s31 =	sadd.s32 $0x10, s1;
	s30 =	sadd.s32 $0xF, s29;
	v21 =	vmin.f32 v28, v21;
	v28 =	vsub.f32 v60, v54;
	v43 =	vld.idx.msk [tilespmem:v46+s11+$0x0], $0xffff;
	vm1 =	vgt.f32 v34, $0.0e+00  }
0xd4: {  	v35 =	vmov s30;
	v29 =	vadd.s32 s31, v29;
	v33 =	vld.idx.msk [tilespmem:v46+s9+$0x0], $0xffff;
	v63 =	vsel vm1, $0x2, v1  }
0xd5: {  	s1 =	simm.s32 $0x5;
	s2 =	simm.s32 $0x6;
	v39 =	vadd.s32 s0, v37;
	v44 =	vadd.s32 v4, v61;
	v42 =	vld.idx.msk [tilespmem:v31+s5+$0x0], $0xffff;
	v40 =	vadd.s32 v63, v29  }
.LBB2_4:
0xd6: {  	p0 =	sne.s32 s2, $0x1F;
	v29 =	vshll.u32 v44, $0x3;
	v45 =	vld.idx.msk [tilespmem:v36+s11+$0x0], $0xffff;
	v31 =	vshll.u32 v37, $0x1;
	vm1 =	vgt.f32 v28, $0.0e+00;
	s0 =	smov.u32 s30  }
0xd7: {  	v32 =	vand.u32 $0xFFFFFC00, v29;
	v29 =	vld.idx.msk [tilespmem:v36+s9+$0x0], $0xffff;
	v31 =	vadd.s32 s31, v31;
	v36 =	vsel vm1, $0x2, v1  }
0xd8: {  	v37 =	vadd.s32 v5, v43;
	v43 =	vand.u32 $0x7F, v44;
	v32 =	vadd.s32 v13, v32  }
0xd9: {  	v46 =	vand.u32 $0x7F, v37;
	v37 =	vshll.u32 v37, $0x3;
	v44 =	vld.idx.msk [tilespmem:v35+s11+$0x0], $0xffff;
	v32 =	vor.u32 v43, v32  }
0xda: {  	v36 =	vadd.s32 v36, v24;
	v24 =	vmovc v31;
	v37 =	vand.u32 $0xFFFFFC00, v37;
	v32 =	vor.u32 v14, v32;
	v40 =	vld.idx.msk [tilespmem:v40+s12+$0x0], $0xffff  }
0xdb: {  	v47 =	vand.u32 $0x7FFFFFFF, v16;
	v16 =	vmovc v19;
	v43 =	vand.u32 $0x7FFFFFFF, v12;
	v12 =	vmovc v11;
	v41 =	vsub.f32 v42, v41;
	v42 =	vld.idx.msk [tilespmem:v39+s11+$0x0], $0xffff  }
0xdc: {  	v19 =	vmov s1;
	s1 =	smov.u32 s2;
	v11 =	vmovc v20;
	v37 =	vadd.s32 v13, v37;
	v31 =	vld.idx.msk [tilespmem:v39+s9+$0x0], $0xffff;
	v39 =	vmin.f32 v43, v47  }
0xdd: {  	v20 =	vshll.u32 v30, $0x1;
	v30 =	vand.u32 $0x7FFFFFFF, v25;
	vm1 =	vgt.f32 v41, $0.0e+00;
	v25 =	vmovc v41  }
0xde: {  	v34 =	vand.u32 $0x7FFFFFFF, v34;
	v41 =	vsel vm1, $0x2, v1;
	v30 =	vmin.f32 v39, v30;
	v38 =	vld.idx.msk [tilespmem:v38+s9+$0x0], $0xffff  }
0xdf: {  	v39 =	vshrl.u32 v19, $0x3;
	v43 =	vld.idx.msk [tilespmem:v32+s5+$0x0], $0xffff;
	v32 =	vadd.s32 v20, v41;
	v20 =	vmin.f32 v30, v34  }
0xe0: {  	v30 =	vadd.s32 v4, v44;
	v34 =	vadd.s32 s28, v32;
	v20 =	vmul.f32 v20, v40;
	v36 =	vld.idx.msk [tilespmem:v36+s12+$0x0], $0xffff  }
0xe1: {  	v39 =	vmul.u32 $0x1400, v39;
	v40 =	vadd.s32 v5, v44;
	v41 =	vshll.u32 v30, $0x3  }
0xe2: {  	v44 =	vshll.u32 v40, $0x3;
	v41 =	vand.u32 $0xFFFFFC00, v41;
	v18 =	vadd.f32 v20, v18  }
0xe3: {  	v19 =	vshll.u32 v19, $0x7;
	v20 =	vand.u32 $0x7F, v30;
	v30 =	vadd.s32 v39, v41  }
0xe4: {  	v41 =	vand.u32 $0xFFFFFC00, v44;
	v44 =	vand.u32 $0x380, v19;
	v19 =	vor.u32 v20, v30  }
0xe5: {  	v20 =	vadd.s32 v39, v41;
	v41 =	vor.u32 v44, v19;
	v19 =	vsub.f32 v43, v38;
	v38 =	vld.idx.msk [tilespmem:v34+s11+$0x0], $0xffff  }
0xe6: {  	v37 =	vor.u32 v46, v37;
	v30 =	vand.u32 $0x7F, v40;
	v40 =	vadd.s32 v5, v45  }
0xe7: {  	v37 =	vor.u32 v14, v37;
	v20 =	vor.u32 v30, v20;
	vm1 =	vgt.f32 v19, $0.0e+00  }
0xe8: {  	v30 =	vsel vm0, $0x4, v2;
	v20 =	vor.u32 v44, v20;
	v43 =	vsel vm1, $0x2, v1  }
0xe9: {  	v30 =	vadd.s32 v30, v43;
	v43 =	vand.u32 $0x7F, v40;
	v40 =	vshll.u32 v40, $0x3;
	v35 =	vld.idx.msk [tilespmem:v35+s9+$0x0], $0xffff  }
0xea: {  	v42 =	vadd.s32 v5, v42;
	v45 =	vadd.s32 s29, v30;
	v40 =	vand.u32 $0xFFFFFC00, v40;
	v41 =	vld.idx.msk [tilespmem:v41+s5+$0x0], $0xffff  }
0xeb: {  	v46 =	vshll.u32 v42, $0x3;
	v40 =	vadd.s32 v10, v40;
	v38 =	vadd.s32 v4, v38  }
0xec: {  	v46 =	vand.u32 $0xFFFFFC00, v46;
	v40 =	vor.u32 v43, v40;
	v43 =	vshll.u32 v38, $0x3;
	v37 =	vld.idx.msk [tilespmem:v37+s5+$0x0], $0xffff  }
0xed: {  	v40 =	vor.u32 v9, v40;
	v47 =	vld.idx.msk [tilespmem:v20+s5+$0x0], $0xffff;
	v20 =	vand.u32 $0xFFFFFC00, v43;
	v43 =	vadd.s32 v8, v46;
	v8 =	vmovc v10  }
0xee: {  	v42 =	vand.u32 $0x7F, v42;
	v38 =	vand.u32 $0x7F, v38;
	v10 =	vmovc v13;
	v13 =	vmovc v39;
	v20 =	vadd.s32 v8, v20  }
0xef: {  	v28 =	vand.u32 $0x7FFFFFFF, v28;
	v42 =	vor.u32 v42, v43;
	v39 =	vld.idx.msk [tilespmem:v45+s11+$0x0], $0xffff;
	v38 =	vor.u32 v38, v20  }
0xf0: {  	v20 =	vsub.f32 v41, v35;
	v42 =	vor.u32 v7, v42;
	v7 =	vmovc v9;
	v41 =	vor.u32 v9, v38  }
0xf1: {  	v6 =	vadd.f32 v22, v6;
	v28 =	vmin.f32 v15, v28;
	v15 =	vmovc v21;
	v9 =	vmovc v14;
	v14 =	vmov v44  }
0xf2: {  	v22 =	vmul.f32 v28, v36;
	vm0 =	vgt.f32 v20, $0.0e+00;
	v21 =	vsub.f32 v37, v33;
	v33 =	vld.idx.msk [tilespmem:v40+s5+$0x0], $0xffff  }
0xf3: {  	v28 =	vsub.f32 v47, v35;
	v35 =	vsel vm0, $0x2, v1  }
0xf4: {  	v38 =	vadd.s32 s30, v35;
	v35 =	vand.u32 $0x7FFFFFFF, v21;
	vm1 =	vgt.f32 v21, $0.0e+00;
	v21 =	vld.idx.msk [tilespmem:v34+s9+$0x0], $0xffff  }
0xf5: {  	vm2 =	vgt.f32 v28, $0.0e+00;
	v34 =	vsel vm1, $0x2, v1;
	v37 =	vadd.s32 v4, v39;
	v39 =	vld.idx.msk [tilespmem:v41+s5+$0x0], $0xffff  }
0xf6: {  	v36 =	vsel vm2, $0x2, v1;
	v40 =	vsel vm2, $0x4, v2;
	v41 =	vshll.u32 v37, $0x3;
	v42 =	vld.idx.msk [tilespmem:v42+s5+$0x0], $0xffff  }
0xf7: {  	v34 =	vadd.s32 v27, v34;
	v44 =	vadd.s32 s30, v36;
	v41 =	vand.u32 $0xFFFFFC00, v41;
	v27 =	vmovc v40  }
0xf8: {  	v37 =	vand.u32 $0x7F, v37;
	v36 =	vadd.s32 s29, v34;
	v40 =	vadd.s32 v10, v41  }
0xf9: {  	v41 =	vshll.u32 v34, $0x1;
	v29 =	vsub.f32 v33, v29;
	v34 =	vor.u32 v37, v40;
	v46 =	vld.idx.msk [tilespmem:v38+s11+$0x0], $0xffff  }
0xfa: {  	v33 =	vmin.f32 v23, v35;
	v23 =	vand.u32 $0x7FFFFFFF, v28;
	v40 =	vor.u32 v9, v34  }
.Ltmp0:
0xfb: {  	v28 =	vand.u32 $0x7FFFFFFF, v29;
	vm1 =	vgt.f32 v29, $0.0e+00;
	v34 =	vsub.f32 v39, v21;
	(pc) =	sbr.rel @p0 .LBB2_4-.Ltmp0, $4  }
0xfc: {  	v21 =	vmin.f32 v17, v28;
	v29 =	vsel vm1, $0x2, v1;
	v17 =	vmovc v33;
	v28 =	vsub.f32 v42, v31;
	v43 =	vld.idx.msk [tilespmem:v44+s11+$0x0], $0xffff  }
0xfd: {  	s31 =	sadd.s32 $0x10, s31;
	s30 =	sadd.s32 $0xF, s30;
	v37 =	vadd.s32 v26, v29;
	v29 =	vshll.u32 v32, $0x1;
	v26 =	vmovc v41;
	vm1 =	vgt.f32 v34, $0.0e+00;
	v33 =	vld.idx.msk [tilespmem:v44+s9+$0x0], $0xffff  }
0xfe: {  	v35 =	vmov s30;
	v29 =	vadd.s32 s31, v29;
	v31 =	vsel vm1, $0x2, v1;
	v41 =	vld.idx.msk [tilespmem:v45+s9+$0x0], $0xffff  }
0xff: {  	s2 =	sadd.s32 $0x1, s2;
	v39 =	vadd.s32 s28, v37;
	s28 =	smov.u32 s29;
	s29 =	smov.u32 s0;
	v44 =	vadd.s32 v4, v46;
	v42 =	vld.idx.msk [tilespmem:v40+s5+$0x0], $0xffff;
	v40 =	vadd.s32 v31, v29  }
0x100: {  	_ =	sdelay $0x3  }
0x101: {  	v29 =	vld.idx.msk [tilespmem:v35+s11+$0x0], $0xffff;
	_ =	sdelay $0x3  }
0x102: {  	v31 =	vmov s1  }
0x103: {  	v32 =	vshrl.u32 v31, $0x3;
	v31 =	vshll.u32 v31, $0x7;
	v45 =	vadd.s32 v4, v29  }
0x104: {  	v32 =	vmul.u32 $0x1400, v32;
	v29 =	vadd.s32 v5, v29;
	v46 =	vshll.u32 v45, $0x3  }
0x105: {  	v31 =	vand.u32 $0x380, v31;
	v47 =	vshll.u32 v29, $0x3;
	v46 =	vand.u32 $0xFFFFFC00, v46  }
0x106: {  	v45 =	vand.u32 $0x7F, v45;
	v47 =	vand.u32 $0xFFFFFC00, v47;
	v46 =	vadd.s32 v32, v46  }
0x107: {  	v29 =	vand.u32 $0x7F, v29;
	v54 =	vadd.s32 v32, v47;
	v45 =	vor.u32 v45, v46  }
0x108: {  	v29 =	vor.u32 v29, v54;
	v45 =	vor.u32 v31, v45  }
0x109: {  	v29 =	vor.u32 v31, v29;
	_ =	sdelay $0x2  }
0x10a: {  	v55 =	vld.idx.msk [tilespmem:v35+s9+$0x0], $0xffff  }
0x10b: {  	v45 =	vld.idx.msk [tilespmem:v45+s5+$0x0], $0xffff  }
0x10c: {  	v56 =	vld.idx.msk [tilespmem:v29+s5+$0x0], $0xffff;
	_ =	sdelay $0x3  }
0x10d: {  	v29 =	vsub.f32 v45, v55  }
0x10e: {  	v35 =	vsub.f32 v56, v55  }
0x10f: {  	vm2 =	vgt.f32 v29, $0.0e+00  }
0x110: {  	vm1 =	vgt.f32 v35, $0.0e+00;
	v57 =	vsel vm2, $0x2, v1  }
0x111: {  	v58 =	vsel vm1, $0x2, v1;
	v45 =	vadd.s32 s30, v57  }
0x112: {  	v46 =	vadd.s32 s30, v58;
	_ =	sdelay $0x1  }
0x113: {  	v59 =	vshll.u32 v44, $0x3;
	v43 =	vadd.s32 v5, v43  }
0x114: {  	v50 =	vshll.u32 v43, $0x3;
	v47 =	vand.u32 $0xFFFFFC00, v59  }
0x115: {  	v60 =	vand.u32 $0x7F, v44;
	v61 =	vand.u32 $0xFFFFFC00, v50;
	v47 =	vadd.s32 v13, v47;
	v48 =	vld.idx.msk [tilespmem:v45+s11+$0x0], $0xffff  }
0x116: {  	v43 =	vand.u32 $0x7F, v43;
	v44 =	vor.u32 v60, v47;
	v47 =	vadd.s32 v13, v61;
	v49 =	vld.idx.msk [tilespmem:v46+s11+$0x0], $0xffff  }
0x117: {  	v44 =	vor.u32 v14, v44;
	v43 =	vor.u32 v43, v47  }
0x118: {  	v43 =	vor.u32 v14, v43;
	_ =	sdelay $0x1  }
0x119: {  	v48 =	vadd.s32 v4, v48  }
0x11a: {  	v63 =	vld.idx.msk [tilespmem:v38+s9+$0x0], $0xffff;
	v49 =	vadd.s32 v5, v49;
	v62 =	vshll.u32 v48, $0x3  }
0x11b: {  	v44 =	vld.idx.msk [tilespmem:v44+s5+$0x0], $0xffff;
	v54 =	vshll.u32 v49, $0x3;
	v47 =	vand.u32 $0xFFFFFC00, v62  }
0x11c: {  	v59 =	vld.idx.msk [tilespmem:v43+s5+$0x0], $0xffff;
	v53 =	vand.u32 $0x7F, v48;
	v55 =	vand.u32 $0xFFFFFC00, v54;
	v47 =	vadd.s32 v32, v47  }
0x11d: {  	v56 =	vand.u32 $0x7F, v49;
	v38 =	vor.u32 v53, v47;
	v47 =	vadd.s32 v32, v55  }
0x11e: {  	v57 =	vor.u32 v31, v38;
	v58 =	vor.u32 v56, v47  }
0x11f: {  	v38 =	vsub.f32 v42, v41;
	v41 =	vor.u32 v31, v58  }
0x120: {  	v51 =	vshll.u32 v30, $0x1;
	v60 =	vld.idx.msk [tilespmem:v36+s11+$0x0], $0xffff;
	v30 =	vsub.f32 v44, v63  }
0x121: {  	vm3 =	vgt.f32 v28, $0.0e+00;
	v12 =	vand.u32 $0x7FFFFFFF, v12;
	v33 =	vsub.f32 v59, v33;
	v63 =	vld.idx.msk [tilespmem:v45+s9+$0x0], $0xffff  }
0x122: {  	v61 =	vsel vm3, $0x2, v1;
	vm12 =	vgt.f32 v30, $0.0e+00;
	v46 =	vld.idx.msk [tilespmem:v46+s9+$0x0], $0xffff;
	vm11 =	vgt.f32 v38, $0.0e+00  }
0x123: {  	vm13 =	vgt.f32 v33, $0.0e+00;
	v45 =	vadd.s32 v61, v24;
	v62 =	vsel vm11, $0x2, v1;
	v52 =	vld.idx.msk [tilespmem:v57+s5+$0x0], $0xffff  }
0x124: {  	v54 =	vsel vm12, $0x2, v1;
	v53 =	vsel vm0, $0x4, v2;
	v24 =	vadd.s32 v51, v62;
	v41 =	vld.idx.msk [tilespmem:v41+s5+$0x0], $0xffff  }
0x125: {  	v55 =	vand.u32 $0x7FFFFFFF, v25;
	v25 =	vadd.s32 v53, v54;
	v48 =	vadd.s32 s28, v24  }
0x126: {  	v16 =	vand.u32 $0x7FFFFFFF, v16;
	v59 =	vsel vm13, $0x2, v1;
	v50 =	vadd.s32 s29, v25  }
0x127: {  	v12 =	vmin.f32 v12, v16;
	v27 =	vadd.s32 v27, v59  }
0x128: {  	v59 =	vsel vm1, $0x4, v2;
	v49 =	vmin.f32 v12, v55;
	v12 =	vsub.f32 v52, v63  }
0x129: {  	v43 =	vadd.s32 s29, v27;
	v56 =	vld.idx.msk [tilespmem:v39+s11+$0x0], $0xffff;
	v58 =	vadd.s32 v5, v60;
	v16 =	vsub.f32 v41, v46  }
0x12a: {  	v61 =	vand.u32 $0x7F, v58;
	v62 =	vshll.u32 v58, $0x3;
	v60 =	vld.idx.msk [tilespmem:v48+s11+$0x0], $0xffff;
	vm14 =	vgt.f32 v12, $0.0e+00  }
0x12b: {  	v57 =	vsel vm2, $0x4, v2;
	v52 =	vld.idx.msk [tilespmem:v50+s11+$0x0], $0xffff;
	v58 =	vsel vm14, $0x2, v1;
	vm15 =	vgt.f32 v16, $0.0e+00  }
0x12c: {  	v63 =	vand.u32 $0xFFFFFC00, v62;
	v46 =	vadd.s32 v57, v58;
	v54 =	vsel vm15, $0x2, v1  }
0x12d: {  	v41 =	vadd.s32 v10, v63;
	v53 =	vadd.s32 s30, v46;
	v51 =	vadd.s32 v59, v54  }
0x12e: {  	v42 =	vadd.s32 v5, v56;
	v41 =	vor.u32 v61, v41;
	v61 =	vld.idx.msk [tilespmem:v43+s11+$0x0], $0xffff;
	v55 =	vadd.s32 s30, v51  }
0x12f: {  	v41 =	vor.u32 v9, v41;
	v44 =	vadd.s32 v4, v60;
	v60 =	vshll.u32 v42, $0x3  }
0x130: {  	v52 =	vadd.s32 v4, v52;
	v42 =	vand.u32 $0x7F, v42;
	v56 =	vshll.u32 v44, $0x3  }
0x131: {  	v54 =	vand.u32 $0xFFFFFC00, v60;
	v44 =	vand.u32 $0x7F, v44;
	v63 =	vshll.u32 v52, $0x3  }
0x132: {  	v52 =	vand.u32 $0x7F, v52;
	v56 =	vand.u32 $0xFFFFFC00, v56;
	v8 =	vadd.s32 v8, v54;
	v57 =	vld.idx.msk [tilespmem:v53+s11+$0x0], $0xffff  }
0x133: {  	v59 =	vand.u32 $0xFFFFFC00, v63;
	v47 =	vadd.s32 v5, v61;
	v62 =	vadd.s32 v10, v56;
	v60 =	vld.idx.msk [tilespmem:v55+s11+$0x0], $0xffff  }
0x134: {  	v54 =	vadd.s32 v13, v59;
	v61 =	vshll.u32 v47, $0x3;
	v8 =	vor.u32 v42, v8  }
0x135: {  	v47 =	vand.u32 $0x7F, v47;
	v52 =	vor.u32 v52, v54;
	v63 =	vand.u32 $0xFFFFFC00, v61  }
0x136: {  	v40 =	vld.idx.msk [tilespmem:v40+s12+$0x0], $0xffff;
	v44 =	vor.u32 v44, v62;
	v62 =	vor.u32 v14, v52;
	v52 =	vadd.s32 v13, v63  }
0x137: {  	v36 =	vld.idx.msk [tilespmem:v36+s9+$0x0], $0xffff;
	v7 =	vor.u32 v7, v8;
	v58 =	vor.u32 v47, v52;
	v57 =	vadd.s32 v4, v57  }
0x138: {  	v8 =	vld.idx.msk [tilespmem:v41+s5+$0x0], $0xffff;
	v41 =	vor.u32 v14, v58;
	v59 =	vshll.u32 v57, $0x3;
	v60 =	vadd.s32 v5, v60  }
0x139: {  	v34 =	vand.u32 $0x7FFFFFFF, v34;
	v45 =	vld.idx.msk [tilespmem:v45+s12+$0x0], $0xffff;
	v47 =	vand.u32 $0xFFFFFC00, v59;
	v56 =	vshll.u32 v60, $0x3  }
0x13a: {  	v39 =	vld.idx.msk [tilespmem:v39+s9+$0x0], $0xffff;
	v54 =	vand.u32 $0x7F, v57;
	v47 =	vadd.s32 v32, v47;
	v61 =	vand.u32 $0xFFFFFC00, v56  }
0x13b: {  	v50 =	vld.idx.msk [tilespmem:v50+s9+$0x0], $0xffff;
	v52 =	vand.u32 $0x7F, v60;
	v47 =	vor.u32 v54, v47;
	v54 =	vadd.s32 v32, v61  }
0x13c: {  	v22 =	vadd.f32 v22, v6;
	v58 =	vand.u32 $0x7FFFFFFF, v28;
	v42 =	vld.idx.msk [tilespmem:v62+s5+$0x0], $0xffff;
	v62 =	vor.u32 v52, v54  }
0x13d: {  	v11 =	vand.u32 $0x7FFFFFFF, v11;
	v59 =	vld.idx.msk [tilespmem:v41+s5+$0x0], $0xffff;
	v60 =	vmin.f32 v15, v58;
	v56 =	vor.u32 v31, v62  }
0x13e: {  	v19 =	vand.u32 $0x7FFFFFFF, v19;
	v28 =	vmul.f32 v60, v45;
	v45 =	vld.idx.msk [tilespmem:v55+s9+$0x0], $0xffff;
	v47 =	vor.u32 v31, v47  }
0x13f: {  	v20 =	vand.u32 $0x7FFFFFFF, v20;
	v11 =	vmin.f32 v11, v19;
	v36 =	vsub.f32 v8, v36;
	v54 =	vld.idx.msk [tilespmem:v43+s9+$0x0], $0xffff  }
0x140: {  	v27 =	vshll.u32 v27, $0x1;
	v34 =	vmin.f32 v49, v34;
	v38 =	vand.u32 $0x7FFFFFFF, v38;
	v61 =	vld.idx.msk [tilespmem:v53+s9+$0x0], $0xffff  }
0x141: {  	v44 =	vor.u32 v9, v44;
	v63 =	vmul.f32 v34, v40;
	vm4 =	vgt.f32 v36, $0.0e+00;
	v52 =	vld.idx.msk [tilespmem:v7+s5+$0x0], $0xffff  }
0x142: {  	v57 =	vshll.u32 v37, $0x1;
	v7 =	vsub.f32 v42, v50;
	v42 =	vsel vm4, $0x2, v1;
	v40 =	vld.idx.msk [tilespmem:v56+s5+$0x0], $0xffff  }
0x143: {  	v41 =	vadd.f32 v63, v18;
	v63 =	vand.u32 $0x7FFFFFFF, v33;
	v26 =	vadd.s32 v26, v42;
	v62 =	vld.idx.msk [tilespmem:v47+s5+$0x0], $0xffff  }
0x144: {  	vm5 =	vgt.f32 v7, $0.0e+00;
	v42 =	vadd.s32 s28, v26;
	v18 =	vsub.f32 v59, v54  }
0x145: {  	v8 =	vmin.f32 v23, v63;
	v49 =	vsel vm5, $0x2, v1;
	v47 =	vshll.u32 v25, $0x1  }
0x146: {  	v48 =	vld.idx.msk [tilespmem:v48+s9+$0x0], $0xffff;
	v53 =	vshll.u32 v51, $0x1;
	v23 =	vadd.s32 v47, v49;
	vm6 =	vgt.f32 v18, $0.0e+00  }
0x147: {  	v44 =	vld.idx.msk [tilespmem:v44+s5+$0x0], $0xffff;
	v37 =	vadd.s32 s29, v23;
	v50 =	vsel vm6, $0x2, v1;
	v15 =	vsub.f32 v40, v45  }
0x148: {  	v34 =	vsub.f32 v52, v39;
	v27 =	vadd.s32 v27, v50;
	v6 =	vsub.f32 v62, v61  }
0x149: {  	v54 =	vshll.u32 v46, $0x1;
	v52 =	vld.idx.msk [tilespmem:v42+s11+$0x0], $0xffff;
	v46 =	vadd.s32 s29, v27;
	vm9 =	vgt.f32 v15, $0.0e+00  }
0x14a: {  	v43 =	vadd.s32 s31, v57;
	vm8 =	vgt.f32 v6, $0.0e+00;
	v57 =	vsel vm9, $0x2, v1  }
0x14b: {  	v24 =	vshll.u32 v24, $0x1;
	v55 =	vsel vm8, $0x2, v1;
	v40 =	vadd.s32 v53, v57  }
0x14c: {  	s0 =	sadd.s32 $0x10, s31;
	v25 =	vsub.f32 v44, v48;
	v56 =	vld.idx.msk [tilespmem:v37+s11+$0x0], $0xffff;
	v39 =	vadd.s32 v54, v55;
	v44 =	vadd.s32 s30, v40  }
0x14d: {  	v11 =	vmin.f32 v11, v38;
	v24 =	vadd.s32 s0, v24;
	v48 =	vadd.s32 s30, v39  }
0x14e: {  	vm7 =	vgt.f32 v25, $0.0e+00;
	vm10 =	vgt.f32 v34, $0.0e+00;
	v33 =	vadd.s32 v5, v52;
	v61 =	vld.idx.msk [tilespmem:v46+s11+$0x0], $0xffff  }
0x14f: {  	v58 =	vsel vm7, $0x2, v1;
	v59 =	vsel vm10, $0x2, v1;
	v60 =	vshll.u32 v33, $0x3  }
0x150: {  	v24 =	vadd.s32 v58, v24;
	v43 =	vadd.s32 v59, v43;
	v47 =	vand.u32 $0xFFFFFC00, v60  }
0x151: {  	v33 =	vand.u32 $0x7F, v33;
	v63 =	vadd.s32 v10, v47;
	v45 =	vadd.s32 v4, v56;
	v53 =	vld.idx.msk [tilespmem:v44+s11+$0x0], $0xffff  }
0x152: {  	v55 =	vand.u32 $0x7FFFFFFF, v35;
	v10 =	vor.u32 v33, v63;
	v62 =	vshll.u32 v45, $0x3;
	v51 =	vld.idx.msk [tilespmem:v48+s11+$0x0], $0xffff  }
0x153: {  	v54 =	vor.u32 v9, v10;
	v52 =	vand.u32 $0xFFFFFC00, v62;
	v56 =	vadd.s32 v5, v61  }
0x154: {  	v45 =	vand.u32 $0x7F, v45;
	v19 =	vadd.s32 v13, v52;
	v57 =	vshll.u32 v56, $0x3  }
0x155: {  	v19 =	vor.u32 v45, v19;
	v35 =	vand.u32 $0x7F, v56;
	v38 =	vand.u32 $0xFFFFFC00, v57  }
0x156: {  	v42 =	vld.idx.msk [tilespmem:v42+s9+$0x0], $0xffff;
	v19 =	vor.u32 v14, v19;
	v59 =	vadd.s32 v13, v38;
	v5 =	vadd.s32 v5, v53  }
0x157: {  	v37 =	vld.idx.msk [tilespmem:v37+s9+$0x0], $0xffff;
	v13 =	vor.u32 v35, v59;
	v4 =	vadd.s32 v4, v51;
	v60 =	vshll.u32 v5, $0x3  }
0x158: {  	v24 =	vld.idx.msk [tilespmem:v24+s12+$0x0], $0xffff;
	v13 =	vor.u32 v14, v13;
	v58 =	vshll.u32 v4, $0x3;
	v61 =	vand.u32 $0xFFFFFC00, v60  }
0x159: {  	v63 =	vld.idx.msk [tilespmem:v43+s12+$0x0], $0xffff;
	v33 =	vand.u32 $0xFFFFFC00, v58;
	v5 =	vand.u32 $0x7F, v5;
	v62 =	vadd.s32 v32, v61  }
0x15a: {  	v43 =	vld.idx.msk [tilespmem:v48+s9+$0x0], $0xffff;
	v4 =	vand.u32 $0x7F, v4;
	v32 =	vadd.s32 v32, v33;
	v5 =	vor.u32 v5, v62  }
0x15b: {  	v12 =	vand.u32 $0x7FFFFFFF, v12;
	v45 =	vld.idx.msk [tilespmem:v44+s9+$0x0], $0xffff;
	v4 =	vor.u32 v4, v32;
	v5 =	vor.u32 v31, v5  }
0x15c: {  	v16 =	vand.u32 $0x7FFFFFFF, v16;
	v36 =	vand.u32 $0x7FFFFFFF, v36;
	v9 =	vld.idx.msk [tilespmem:v54+s5+$0x0], $0xffff;
	v4 =	vor.u32 v31, v4  }
0x15d: {  	v17 =	vmin.f32 v17, v36;
	v22 =	vadd.f32 v28, v22;
	v36 =	vshll.u32 v26, $0x1;
	v33 =	vld.idx.msk [tilespmem:v46+s9+$0x0], $0xffff  }
0x15e: {  	v7 =	vand.u32 $0x7FFFFFFF, v7;
	v25 =	vand.u32 $0x7FFFFFFF, v25;
	v23 =	vshll.u32 v23, $0x1;
	v13 =	vld.idx.msk [tilespmem:v13+s5+$0x0], $0xffff  }
0x15f: {  	v18 =	vand.u32 $0x7FFFFFFF, v18;
	v11 =	vmin.f32 v11, v25;
	v25 =	vadd.s32 s0, v36;
	s0 =	sadd.s32 $0x10, s0;
	v19 =	vld.idx.msk [tilespmem:v19+s5+$0x0], $0xffff  }
0x160: {  	v8 =	vmin.f32 v8, v18;
	v23 =	vadd.s32 s0, v23;
	v6 =	vand.u32 $0x7FFFFFFF, v6;
	v5 =	vld.idx.msk [tilespmem:v5+s5+$0x0], $0xffff  }
0x161: {  	v10 =	vmin.f32 v55, v16;
	v48 =	vshll.u32 v27, $0x1;
	v9 =	vsub.f32 v9, v42;
	v4 =	vld.idx.msk [tilespmem:v4+s5+$0x0], $0xffff  }
0x162: {  	v55 =	vshll.u32 v40, $0x1;
	v11 =	vmul.f32 v11, v24;
	v50 =	vadd.s32 s0, v48;
	s0 =	sadd.s32 $0x10, s0  }
0x163: {  	v56 =	vadd.s32 s0, v55;
	vm12 =	vgt.f32 v9, $0.0e+00;
	v13 =	vsub.f32 v13, v33  }
0x164: {  	v53 =	vshll.u32 v39, $0x1;
	v49 =	vsel vm12, $0x2, v1;
	v19 =	vsub.f32 v19, v37  }
0x165: {  	v51 =	vadd.s32 v49, v25;
	vm13 =	vgt.f32 v13, $0.0e+00;
	v5 =	vsub.f32 v5, v45  }
0x166: {  	vm11 =	vgt.f32 v19, $0.0e+00;
	v54 =	vsel vm13, $0x2, v1;
	v4 =	vsub.f32 v4, v43  }
0x167: {  	v46 =	vsel vm11, $0x2, v1;
	v14 =	vadd.s32 v54, v50;
	vm14 =	vgt.f32 v5, $0.0e+00  }
0x168: {  	v47 =	vadd.s32 v46, v23;
	vm15 =	vgt.f32 v4, $0.0e+00;
	v57 =	vsel vm14, $0x2, v1  }
0x169: {  	v24 =	vadd.s32 s0, v53;
	v58 =	vsel vm15, $0x2, v1;
	v26 =	vadd.s32 v57, v56  }
0x16a: {  	v15 =	vand.u32 $0x7FFFFFFF, v15;
	v38 =	vand.u32 $0x7FFFFFFF, v34;
	v23 =	vld.idx.msk [tilespmem:v51+s12+$0x0], $0xffff;
	v24 =	vadd.s32 v58, v24  }
0x16b: {  	v10 =	vmin.f32 v10, v15;
	v52 =	vand.u32 $0x7FFFFFFF, v30;
	v21 =	vmin.f32 v21, v38  }
0x16c: {  	v11 =	vadd.f32 v11, v41;
	v20 =	vmin.f32 v20, v52;
	v21 =	vmul.f32 v21, v63;
	v14 =	vld.idx.msk [tilespmem:v14+s12+$0x0], $0xffff  }
0x16d: {  	v7 =	vmin.f32 v20, v7;
	v9 =	vand.u32 $0x7FFFFFFF, v9;
	v62 =	vand.u32 $0x7FFFFFFF, v29;
	v16 =	vld.idx.msk [tilespmem:v47+s12+$0x0], $0xffff  }
0x16e: {  	v59 =	vadd.f32 v21, v22;
	v9 =	vmin.f32 v17, v9;
	v12 =	vmin.f32 v62, v12;
	v60 =	vld.idx.msk [tilespmem:v26+s12+$0x0], $0xffff  }
0x16f: {  	v19 =	vand.u32 $0x7FFFFFFF, v19;
	v13 =	vand.u32 $0x7FFFFFFF, v13;
	v9 =	vmul.f32 v9, v23;
	v61 =	vld.idx.msk [tilespmem:v24+s12+$0x0], $0xffff  }
0x170: {  	v6 =	vmin.f32 v12, v6;
	v7 =	vmin.f32 v7, v19;
	v8 =	vmin.f32 v8, v13  }
0x171: {  	v9 =	vadd.f32 v9, v59;
	v5 =	vand.u32 $0x7FFFFFFF, v5;
	v8 =	vmul.f32 v8, v14  }
0x172: {  	s30 =	sshll.u32 s24, $0x8;
	s24 =	sadd.s32 $0x1, s24;
	v4 =	vand.u32 $0x7FFFFFFF, v4;
	v5 =	vmin.f32 v10, v5;
	v7 =	vmul.f32 v7, v16  }
0x173: {  	p0 =	sne.s32 s24, $0x10;
	v4 =	vmin.f32 v6, v4;
	v63 =	vadd.f32 v8, v9;
	v5 =	vmul.f32 v5, v60  }
.Ltmp1:
0x174: {  	s0 =	sand.u32 $0xC00, s30;
	v7 =	vadd.f32 v7, v11;
	v4 =	vmul.f32 v4, v61;
	(pc) =	sbr.rel @p0 .LBB2_3-.Ltmp1, $4  }
0x175: {  	s31 =	sand.u32 $0x60, s26;
	s0 =	sadd.s32 s0, s22;
	v5 =	vadd.f32 v5, v63  }
0x176: {  	s2 =	sand.u32 $0x70, s25;
	s1 =	sadd.s32 s31, s0;
	v4 =	vadd.f32 v4, v7  }
0x177: {  	s0 =	sadd.s32 s2, s0;
	[tilespmem:v3+s1+$0x0 ss:$0x1] =	vst.idx.msk $0xffff, v5  }
0x178: {  	[tilespmem:v3+s0+$0x0 ss:$0x1] =	vst.idx.msk $0xffff, v4  }
0x179: {  	s21 =	sadd.s32 $0x1, s21  }
0x17a: {  	p0 =	sne.s32 s21, $0x20  }
.Ltmp2:
0x17b: {  	_ = 	snop;
	(pc) =	sbr.rel @p0 .LBB2_2-.Ltmp2, $2  }
0x17c: {  	_ =	sdelay $0x2  }
0x17d: {  	s19 =	sadd.s32 $0x200, s19;
	s20 =	sadd.s32 $0x1E0, s20  }
0x17e: {  	s18 =	sadd.s32 $0x1, s18  }
0x17f: {  	p0 =	sne.s32 s18, s8  }
.Ltmp3:
0x180: {  	_ = 	snop;
	(pc) =	sbr.rel @p0 .LBB2_1-.Ltmp3, $4  }
0x181: {  	[hbm4b:s7+s15] =	stream.strided.scatter [tilespmem:s17], [sflag:$0x1], $0x4000, s16, s15, $0x38;
	[tilespmem:$0x14800] =	vst v63  }
0x182: {  	_ =	swait.ge [sflag:s10], $0x4000  }
0x183: {  	[sflag:s10] =	ssyncset.done $0x0  }
0x184: {  	[sflag:s10] =	ssyncadd.s32 $0xFFFFC000  }
0x185: {  	_ =	sfence.sel $0x180000  }
0x186: {  	[bflag:$0x0] =	sbarrier.arrive $0xFFFF  }
0x187: {  	_ =	strace $0x90000047  }
0x188: {  	s0 =	stileid.u32;
	[bflag:$0x2] =	sbarrier.arrive $0xFFFF  }
0x189: {  	p0 =	sne.s32 s0, $0x0;
	s0 =	rddreg [dreg:$0x5]  }
0x18a: {  	s0 =	sadd.s32 @!p0 $0x100000, s0  }
0x18b: {  	[sflag:s0] =	ssyncadd.tile.s32 @!p0 $0x1;
	_ =	shalt  }
.Lfunc_end2:
_tile_overlayer_lowered:
.L_overlay_start_2:
0x18c: {  	(tag) =	ssettag $0x2  }
0x18d: {  	s0 =	rddreg [dreg:$0x0];
	s2 =	stileid.u32  }
0x18e: {  	s1 =	rddreg [dreg:$0x1];
	p0 =	sne.s32 s2, $0x0  }
0x18f: {  	s3 =	rddreg [dreg:$0x2];
	[bflag:$0x3] =	sbarrier.arrive $0xFFFF;
	s2 =	simm.s32 @!p0 $0x1C01  }
0x190: {  	[timem:s3], [sflag:s2] =	dma.local @!p0 [hbm:s0], s1  }
0x191: {  	s0 =	simm.s32 @!p0 $0x1  }
0x192: {  	_ =	swait.ge @!p0 [sflag:s0], s1  }
0x193: {  	s1 =	ssub.s32 @!p0 $0x0, s1;
	[sflag:s0] =	ssyncset.done @!p0 $0x0  }
0x194: {  	[sflag:s0] =	ssyncadd.s32 @!p0 s1  }
0x195: {  	[bflag:$0x3] =	sbarrier.arrive $0xFFFF  }
0x196: {  	_ =	shalt  }

</sc_bundles>
